<compile_context>
chip_gen: v7x
topology: tpu7x:2x2x1
jax: 0.10.2.dev20260603
libtpu: 0.0.44.dev20260713+nightly
codegen_flags: <defaults>
</compile_context>

<pallas_src>
import functools

import jax
import jax.numpy as jnp
from jax import lax
from jax.experimental import pallas as pl
from jax.experimental.pallas import tpu as pltpu
from jax.experimental.pallas import tpu_sc as plsc

N_USERS = 25000
N_ITEMS = 25000
N = N_USERS + N_ITEMS
D = 64
HALF = D // 2
E = 800000

NC = 2
NS = 16
EDGES_PER_TILE = E // NS
CHUNK = 400
NCHUNK = EDGES_PER_TILE // CHUNK
ROWS_PER_TILE = N // NS


def _sc_side(ego_flat, adj_row, adj_col, adj_val):
  mesh = plsc.VectorSubcoreMesh(
      core_axis_name="c", subcore_axis_name="s", num_cores=NC, num_subcores=NS)

  @functools.partial(
      pl.kernel,
      out_type=jax.ShapeDtypeStruct((NC, N, HALF), jnp.float32),
      mesh=mesh,
      compiler_params=pltpu.CompilerParams(use_tc_tiling_on_sc=False),
      scratch_types=[
          pltpu.VMEM((CHUNK,), jnp.int32),
          pltpu.VMEM((CHUNK,), jnp.int32),
          pltpu.VMEM((CHUNK,), jnp.float32),
          pltpu.VMEM((CHUNK, HALF), jnp.float32),
          pltpu.VMEM_SHARED((N, HALF), jnp.float32),
          pltpu.SemaphoreType.DMA,
      ],
  )
  def k(ego_hbm, row_hbm, col_hbm, val_hbm, out_hbm,
        idxbuf, rowbuf, valbuf, gath, acc, sem):
    cid = lax.axis_index("c")
    sid = lax.axis_index("s")

    def zbody(i, carry):
      gath[i // 2, pl.ds((i % 2) * 16, 16)] = jnp.zeros((16,), jnp.float32)
      return carry
    lax.fori_loop(0, 2 * CHUNK, zbody, 0)
    for r in range(ROWS_PER_TILE // CHUNK):
      pltpu.sync_copy(gath, acc.at[pl.ds(sid * ROWS_PER_TILE + r * CHUNK,
                                         CHUNK)])
    _rem = ROWS_PER_TILE % CHUNK
    if _rem:
      pltpu.sync_copy(
          gath.at[pl.ds(0, _rem)],
          acc.at[pl.ds(sid * ROWS_PER_TILE + ROWS_PER_TILE - _rem, _rem)])
    plsc.subcore_barrier()

    def chunk_body(eb, carry):
      base = pl.multiple_of(sid * EDGES_PER_TILE + eb * CHUNK, 8)
      pltpu.sync_copy(col_hbm.at[pl.ds(base, CHUNK)], idxbuf)
      pltpu.sync_copy(row_hbm.at[pl.ds(base, CHUNK)], rowbuf)
      pltpu.sync_copy(val_hbm.at[pl.ds(base, CHUNK)], valbuf)

      def tbody(g, c):
        v = idxbuf[pl.ds(g * 16, 16)]
        idxbuf[pl.ds(g * 16, 16)] = v * 2 + cid
        return c
      lax.fori_loop(0, CHUNK // 16, tbody, 0)

      pltpu.async_copy(ego_hbm.at[idxbuf], gath, sem).wait()

      def sbody(g, c):
        v16 = valbuf[pl.ds(g * 16, 16)]
        for j in range(16):
          e = g * 16 + j
          s = v16[j]
          gath[e, pl.ds(0, 16)] = gath[e, pl.ds(0, 16)] * s
          gath[e, pl.ds(16, 16)] = gath[e, pl.ds(16, 16)] * s
        return c
      lax.fori_loop(0, CHUNK // 16, sbody, 0)

      pltpu.sync_copy(gath, acc.at[rowbuf], add=True)
      return carry
    lax.fori_loop(0, NCHUNK, chunk_body, 0)

    plsc.subcore_barrier()

    @pl.when(sid == 0)
    def _drain():
      pltpu.sync_copy(acc, out_hbm.at[cid])

  return k(ego_flat, adj_row, adj_col, adj_val)


BR = 1000
NBLK = N // BR
UBLK = N_USERS // BR


def _tc_tail_body(side2_ref, ego_ref, wgc_ref, bgc_ref, wbi_ref, bbi_ref,
                  att1_ref, att2_ref, out_ref):
  side = jnp.concatenate([side2_ref[0], side2_ref[1]], axis=1)
  ego = ego_ref[...]
  sum_in = jnp.dot(side, wgc_ref[...], preferred_element_type=jnp.float32)
  sum_in = sum_in + bgc_ref[...]
  sum_emb = jnp.where(sum_in > 0, sum_in, 0.01 * sum_in)
  bi_in = jnp.dot(ego * side, wbi_ref[...], preferred_element_type=jnp.float32)
  bi_in = bi_in + bbi_ref[...]
  bi_emb = jnp.where(bi_in > 0, bi_in, 0.01 * bi_in)
  ego1 = sum_emb + bi_emb
  nrm = jnp.sqrt(jnp.sum(ego1 * ego1, axis=1, keepdims=True))
  norm1 = ego1 / jnp.maximum(nrm, 1e-12)
  all_emb = jnp.concatenate([ego, norm1], axis=1)
  i = pl.program_id(0)
  att = jnp.where(i < UBLK, att1_ref[...], att2_ref[...])
  logits = jnp.dot(all_emb, att, preferred_element_type=jnp.float32)
  m = jnp.max(logits, axis=1, keepdims=True)
  ex = jnp.exp(logits - m)
  a = ex / jnp.sum(ex, axis=1, keepdims=True)
  out_ref[...] = ego * a[:, 0:1] + norm1 * a[:, 1:2]


def _tc_tail(side2, ego, W_gc, b_gc, W_bi, b_bi, att1, att2):
  return pl.pallas_call(
      _tc_tail_body,
      grid=(NBLK,),
      in_specs=[
          pl.BlockSpec((NC, BR, HALF), lambda i: (0, i, 0)),
          pl.BlockSpec((BR, D), lambda i: (i, 0)),
          pl.BlockSpec((D, D), lambda i: (0, 0)),
          pl.BlockSpec((1, D), lambda i: (0, 0)),
          pl.BlockSpec((D, D), lambda i: (0, 0)),
          pl.BlockSpec((1, D), lambda i: (0, 0)),
          pl.BlockSpec((2 * D, 2), lambda i: (0, 0)),
          pl.BlockSpec((2 * D, 2), lambda i: (0, 0)),
      ],
      out_specs=pl.BlockSpec((BR, D), lambda i: (i, 0)),
      out_shape=jax.ShapeDtypeStruct((N, D), jnp.float32),
  )(side2, ego, W_gc, b_gc, W_bi, b_bi, att1, att2)


def kernel(user, item, labels_list, trust_data, slice_indices, flag,
           user_embedding, item_embedding, adj_row, adj_col, adj_val,
           W_gc, b_gc, W_bi, b_bi, att_exp1, att_exp2):
  ego = jnp.concatenate([user_embedding[:-1], item_embedding], axis=0)
  ego_flat = ego.reshape(2 * N, HALF)
  side2 = _sc_side(ego_flat,
                   adj_row.astype(jnp.int32),
                   adj_col.astype(jnp.int32),
                   adj_val)
  out = _tc_tail(side2, ego, W_gc, b_gc.reshape(1, D),
                 W_bi, b_bi.reshape(1, D), att_exp1, att_exp2)
  return out[:N_USERS], out[N_USERS:]

# --- scband reference (transcript-rebuilt; emitter-appended) ---
"""Pipeline reference for scband-model-wrapper-9096740733364 (READ-ONLY COPY).

The authoritative reference and input builder live on the scoring server;
editing this copy changes nothing except your own understanding.
"""

import jax, jax.numpy as jnp
import numpy as np

N_USERS = 25000
N_ITEMS = 25000
N = N_USERS + N_ITEMS
D = 64
E = 800000


def setup_inputs(seed: int = 0) -> dict:
    key = jax.random.key(seed)
    ks = jax.random.split(key, 14)
    return {
        "user": jax.random.randint(ks[0], (4096,), 0, N_USERS),
        "item": jax.random.randint(ks[1], (4096,), 0, N_ITEMS),
        "labels_list": jax.random.uniform(ks[2], (4096,), dtype=jnp.float32),
        "trust_data": jnp.zeros((1,), dtype=jnp.int32),
        "slice_indices": jnp.zeros((1,), dtype=jnp.int32),
        "flag": 1,
        "user_embedding": jax.random.normal(ks[3], (N_USERS + 1, D), dtype=jnp.float32) * 0.1,
        "item_embedding": jax.random.normal(ks[4], (N_ITEMS, D), dtype=jnp.float32) * 0.1,
        "adj_row": jax.random.randint(ks[5], (E,), 0, N),
        "adj_col": jax.random.randint(ks[6], (E,), 0, N),
        "adj_val": jax.random.uniform(ks[7], (E,), dtype=jnp.float32) / 16.0,
        "W_gc": jax.random.normal(ks[8], (D, D), dtype=jnp.float32) * 0.05,
        "b_gc": jnp.zeros((D,), dtype=jnp.float32),
        "W_bi": jax.random.normal(ks[9], (D, D), dtype=jnp.float32) * 0.05,
        "b_bi": jnp.zeros((D,), dtype=jnp.float32),
        "att_exp1": jax.random.normal(ks[10], (2 * D, 2), dtype=jnp.float32) * 0.05,
        "att_exp2": jax.random.normal(ks[11], (2 * D, 2), dtype=jnp.float32) * 0.05,
    }


def reference(user, item, labels_list, trust_data, slice_indices, flag,
              user_embedding, item_embedding, adj_row, adj_col, adj_val,
              W_gc, b_gc, W_bi, b_bi, att_exp1, att_exp2):
    # flag == 1 path: NGCF-style propagation over the sparse normalized adjacency,
    # one layer (layer_size=[64]), eval mode (dropout identity).
    ego = jnp.concatenate([user_embedding[:-1], item_embedding], axis=0)  # [N, D]
    # torch.sparse.mm(norm_adj, ego) as gather + scatter-add (segment_sum)
    gathered = adj_val[:, None] * jnp.take(ego, adj_col, axis=0)
    side = jax.ops.segment_sum(gathered, adj_row, num_segments=N)
    sum_emb = jax.nn.leaky_relu(side @ W_gc + b_gc, negative_slope=0.01)
    bi_emb = jax.nn.leaky_relu((ego * side) @ W_bi + b_bi, negative_slope=0.01)
    ego1 = sum_emb + bi_emb
    norm1 = ego1 / jnp.clip(jnp.linalg.norm(ego1, axis=1, keepdims=True), 1e-12, None)
    all_emb = jnp.concatenate([ego, norm1], axis=1)  # [N, 2D]
    all_users, all_items = all_emb[:N_USERS], all_emb[N_USERS:]
    att1 = jax.nn.softmax(all_users @ att_exp1, axis=1)
    ua = all_users[:, :D] * att1[:, 0:1] + all_users[:, D:] * att1[:, 1:2]
    att2 = jax.nn.softmax(all_items @ att_exp2, axis=1)
    ia = all_items[:, :D] * att2[:, 0:1] + all_items[:, D:] * att2[:, 1:2]
    return (ua, ia)

if __name__ == "__main__":
    import jax
    _d = setup_inputs()
    print(jax.jit(kernel)(*tuple(_d.values())))

</pallas_src>

<mosaic_0001>
#map = affine_map<(d0, d1) -> (0, 0)>
#map1 = affine_map<(d0, d1) -> (0)>
#map2 = affine_map<(d0, d1) -> (0, 0, 0)>
module attributes {stable_mosaic.version = 14 : i64} {
  func.func @k(%arg0: i32, %arg1: i32, %arg2: memref<100000x32xf32, #tpu.memory_space<hbm>>, %arg3: memref<800000xi32, #tpu.memory_space<hbm>>, %arg4: memref<800000xi32, #tpu.memory_space<hbm>>, %arg5: memref<800000xf32, #tpu.memory_space<hbm>>, %arg6: memref<2x50000x32xf32, #tpu.memory_space<hbm>>, %arg7: memref<400xi32, #tpu.memory_space<vmem>>, %arg8: memref<400xi32, #tpu.memory_space<vmem>>, %arg9: memref<400xf32, #tpu.memory_space<vmem>>, %arg10: memref<400x32xf32, #tpu.memory_space<vmem>>, %arg11: memref<50000x32xf32, #tpu.memory_space<vmem_shared>>, %arg12: memref<!tpu.dma_semaphore, #tpu.memory_space<semaphore_mem>>) attributes {dimension_semantics = [#tpu.dimension_semantics<core_parallel>, #tpu.dimension_semantics<subcore_parallel>], iteration_bounds = array<i64: 2, 16>, scalar_prefetch = 0 : i64, scratch_operands = 6 : i64, tpu.core_type = #tpu.core_type<sc_vector_subcore>, window_params = [{transform_indices = #map}, {transform_indices = #map1}, {transform_indices = #map1}, {transform_indices = #map1}, {transform_indices = #map2}]} {
    %scan3A = arith.constant 0 : i32
    %scan3A_0 = arith.constant 0 : i32
    %scan3A_1 = arith.constant 800 : i32
    %scan3A_2 = arith.addi %scan3A_0, %scan3A_1 : i32
    %scan3A_3 = arith.constant 1 : i32
    scf.for %scan3A_45 = %scan3A_0 to %scan3A_2 step %scan3A_3  : i32 {
      %broadcast_in_dim3A = arith.constant 0.000000e+00 : f32
      %broadcast_in_dim3A_46 = vector.broadcast %broadcast_in_dim3A : f32 to vector<16xf32>
      %jit3A = arith.constant 2 : i32
      %div3A = arith.divsi %scan3A_45, %jit3A : i32
      %sign3A = arith.constant 0 : i32
      %sign3A_47 = arith.cmpi sgt, %scan3A_45, %sign3A : i32
      %sign3A_48 = arith.extui %sign3A_47 : i1 to i32
      %sign3A_49 = arith.constant 0 : i32
      %sign3A_50 = arith.cmpi slt, %scan3A_45, %sign3A_49 : i32
      %sign3A_51 = arith.extui %sign3A_50 : i1 to i32
      %sign3A_52 = arith.subi %sign3A_48, %sign3A_51 : i32
      %sign3A_53 = arith.constant 0 : i32
      %sign3A_54 = arith.cmpi sgt, %jit3A, %sign3A_53 : i32
      %sign3A_55 = arith.extui %sign3A_54 : i1 to i32
      %sign3A_56 = arith.constant 0 : i32
      %sign3A_57 = arith.cmpi slt, %jit3A, %sign3A_56 : i32
      %sign3A_58 = arith.extui %sign3A_57 : i1 to i32
      %sign3A_59 = arith.subi %sign3A_55, %sign3A_58 : i32
      %ne3A = arith.cmpi ne, %sign3A_52, %sign3A_59 : i32
      %rem3A = arith.remsi %scan3A_45, %jit3A : i32
      %ne3A_60 = arith.constant 0 : i32
      %ne3A_61 = arith.cmpi ne, %rem3A, %ne3A_60 : i32
      %and3A = arith.andi %ne3A, %ne3A_61 : i1
      %sub3A_62 = arith.constant 1 : i32
      %sub3A_63 = arith.subi %div3A, %sub3A_62 : i32
      %select_n3A = arith.select %and3A, %sub3A_63, %div3A : i32
      %jit3A_64 = arith.constant 2 : i32
      %eq3A_65 = arith.constant 0 : i32
      %eq3A_66 = arith.cmpi eq, %jit3A_64, %eq3A_65 : i32
      %jit3A_67 = arith.constant 1 : i32
      %select_n3A_68 = arith.select %eq3A_66, %jit3A_67, %jit3A_64 : i32
      %rem3A_69 = arith.remsi %scan3A_45, %select_n3A_68 : i32
      %ne3A_70 = arith.constant 0 : i32
      %ne3A_71 = arith.cmpi ne, %rem3A_69, %ne3A_70 : i32
      %lt3A = arith.constant 0 : i32
      %lt3A_72 = arith.cmpi slt, %rem3A_69, %lt3A : i32
      %lt3A_73 = arith.constant 0 : i32
      %lt3A_74 = arith.cmpi slt, %select_n3A_68, %lt3A_73 : i32
      %ne3A_75 = arith.xori %lt3A_72, %lt3A_74 : i1
      %and3A_76 = arith.andi %ne3A_75, %ne3A_71 : i1
      %add3A_77 = arith.addi %rem3A_69, %select_n3A_68 : i32
      %select_n3A_78 = arith.select %and3A_76, %add3A_77, %rem3A_69 : i32
      %mul3A_79 = arith.constant 16 : i32
      %mul3A_80 = arith.muli %select_n3A_78, %mul3A_79 : i32
      %swap3A = arith.index_cast %select_n3A : i32 to index
      %swap3A_81 = arith.index_cast %mul3A_80 : i32 to index
      %swap3A_82 = tpu.vector_load %arg10[%swap3A, %swap3A_81] {strides = array<i32>} : memref<400x32xf32, #tpu.memory_space<vmem>>, vector<1x16xf32>,
      %swap3A_83 = vector.shape_cast %swap3A_82 : vector<1x16xf32> to vector<16xf32>
      %swap3A_84 = vector.shape_cast %broadcast_in_dim3A_46 : vector<16xf32> to vector<1x16xf32>
      tpu.vector_store %arg10[%swap3A, %swap3A_81], %swap3A_84 {strides = array<i32>} : memref<400x32xf32, #tpu.memory_space<vmem>>, vector<1x16xf32>,
    }
    %scan3A_4 = arith.constant 800 : i32
    %mul3A = arith.constant 3125 : i32
    %mul3A_5 = arith.muli %arg1, %mul3A : i32
    %add3A = arith.constant 0 : i32
    %add3A_6 = arith.addi %mul3A_5, %add3A : i32
    "tpu.region"() ({
      %run_scoped3A = tpu.sem_alloc : memref<!tpu.dma_semaphore, #tpu.memory_space<semaphore_mem>>
      %dma_start3A = arith.constant 0 : i32
      %dma_start3A_45 = tpu.memref_slice %arg11[%add3A_6, %dma_start3A] : memref<50000x32xf32, #tpu.memory_space<vmem_shared>> -> memref<400x32xf32, #tpu.memory_space<vmem_shared>>
      %dma_start3A_46 = arith.constant 0 : i32
      %dma_start3A_47 = tpu.memref_slice %arg11[%add3A_6, %dma_start3A_46] : memref<50000x32xf32, #tpu.memory_space<vmem_shared>> -> memref<400x32xf32, #tpu.memory_space<vmem_shared>>
      tpu.enqueue_dma source(%arg10 : memref<400x32xf32, #tpu.memory_space<vmem>>) target(%dma_start3A_47 : memref<400x32xf32, #tpu.memory_space<vmem_shared>>) target_semaphore(%run_scoped3A : memref<!tpu.dma_semaphore, #tpu.memory_space<semaphore_mem>>)
      %dma_wait3A = arith.constant 0 : i32
      %dma_wait3A_48 = tpu.memref_slice %arg11[%add3A_6, %dma_wait3A] : memref<50000x32xf32, #tpu.memory_space<vmem_shared>> -> memref<400x32xf32, #tpu.memory_space<vmem_shared>>
      %dma_wait3A_49 = arith.constant 0 : i32
      %dma_wait3A_50 = tpu.memref_slice %arg11[%add3A_6, %dma_wait3A_49] : memref<50000x32xf32, #tpu.memory_space<vmem_shared>> -> memref<400x32xf32, #tpu.memory_space<vmem_shared>>
      tpu.wait_dma2 semaphore(%run_scoped3A : memref<!tpu.dma_semaphore, #tpu.memory_space<semaphore_mem>>) src(%arg10 : memref<400x32xf32, #tpu.memory_space<vmem>>) dst(%dma_wait3A_50 : memref<400x32xf32, #tpu.memory_space<vmem_shared>>)
      tpu.yield
    }) : () -> ()
    %mul3A_7 = arith.constant 3125 : i32
    %mul3A_8 = arith.muli %arg1, %mul3A_7 : i32
    %add3A_9 = arith.constant 400 : i32
    %add3A_10 = arith.addi %mul3A_8, %add3A_9 : i32
    "tpu.region"() ({
      %run_scoped3A = tpu.sem_alloc : memref<!tpu.dma_semaphore, #tpu.memory_space<semaphore_mem>>
      %dma_start3A = arith.constant 0 : i32
      %dma_start3A_45 = tpu.memref_slice %arg11[%add3A_10, %dma_start3A] : memref<50000x32xf32, #tpu.memory_space<vmem_shared>> -> memref<400x32xf32, #tpu.memory_space<vmem_shared>>
      %dma_start3A_46 = arith.constant 0 : i32
      %dma_start3A_47 = tpu.memref_slice %arg11[%add3A_10, %dma_start3A_46] : memref<50000x32xf32, #tpu.memory_space<vmem_shared>> -> memref<400x32xf32, #tpu.memory_space<vmem_shared>>
      tpu.enqueue_dma source(%arg10 : memref<400x32xf32, #tpu.memory_space<vmem>>) target(%dma_start3A_47 : memref<400x32xf32, #tpu.memory_space<vmem_shared>>) target_semaphore(%run_scoped3A : memref<!tpu.dma_semaphore, #tpu.memory_space<semaphore_mem>>)
      %dma_wait3A = arith.constant 0 : i32
      %dma_wait3A_48 = tpu.memref_slice %arg11[%add3A_10, %dma_wait3A] : memref<50000x32xf32, #tpu.memory_space<vmem_shared>> -> memref<400x32xf32, #tpu.memory_space<vmem_shared>>
      %dma_wait3A_49 = arith.constant 0 : i32
      %dma_wait3A_50 = tpu.memref_slice %arg11[%add3A_10, %dma_wait3A_49] : memref<50000x32xf32, #tpu.memory_space<vmem_shared>> -> memref<400x32xf32, #tpu.memory_space<vmem_shared>>
      tpu.wait_dma2 semaphore(%run_scoped3A : memref<!tpu.dma_semaphore, #tpu.memory_space<semaphore_mem>>) src(%arg10 : memref<400x32xf32, #tpu.memory_space<vmem>>) dst(%dma_wait3A_50 : memref<400x32xf32, #tpu.memory_space<vmem_shared>>)
      tpu.yield
    }) : () -> ()
    %mul3A_11 = arith.constant 3125 : i32
    %mul3A_12 = arith.muli %arg1, %mul3A_11 : i32
    %add3A_13 = arith.constant 800 : i32
    %add3A_14 = arith.addi %mul3A_12, %add3A_13 : i32
    "tpu.region"() ({
      %run_scoped3A = tpu.sem_alloc : memref<!tpu.dma_semaphore, #tpu.memory_space<semaphore_mem>>
      %dma_start3A = arith.constant 0 : i32
      %dma_start3A_45 = tpu.memref_slice %arg11[%add3A_14, %dma_start3A] : memref<50000x32xf32, #tpu.memory_space<vmem_shared>> -> memref<400x32xf32, #tpu.memory_space<vmem_shared>>
      %dma_start3A_46 = arith.constant 0 : i32
      %dma_start3A_47 = tpu.memref_slice %arg11[%add3A_14, %dma_start3A_46] : memref<50000x32xf32, #tpu.memory_space<vmem_shared>> -> memref<400x32xf32, #tpu.memory_space<vmem_shared>>
      tpu.enqueue_dma source(%arg10 : memref<400x32xf32, #tpu.memory_space<vmem>>) target(%dma_start3A_47 : memref<400x32xf32, #tpu.memory_space<vmem_shared>>) target_semaphore(%run_scoped3A : memref<!tpu.dma_semaphore, #tpu.memory_space<semaphore_mem>>)
      %dma_wait3A = arith.constant 0 : i32
      %dma_wait3A_48 = tpu.memref_slice %arg11[%add3A_14, %dma_wait3A] : memref<50000x32xf32, #tpu.memory_space<vmem_shared>> -> memref<400x32xf32, #tpu.memory_space<vmem_shared>>
      %dma_wait3A_49 = arith.constant 0 : i32
      %dma_wait3A_50 = tpu.memref_slice %arg11[%add3A_14, %dma_wait3A_49] : memref<50000x32xf32, #tpu.memory_space<vmem_shared>> -> memref<400x32xf32, #tpu.memory_space<vmem_shared>>
      tpu.wait_dma2 semaphore(%run_scoped3A : memref<!tpu.dma_semaphore, #tpu.memory_space<semaphore_mem>>) src(%arg10 : memref<400x32xf32, #tpu.memory_space<vmem>>) dst(%dma_wait3A_50 : memref<400x32xf32, #tpu.memory_space<vmem_shared>>)
      tpu.yield
    }) : () -> ()
    %mul3A_15 = arith.constant 3125 : i32
    %mul3A_16 = arith.muli %arg1, %mul3A_15 : i32
    %add3A_17 = arith.constant 1200 : i32
    %add3A_18 = arith.addi %mul3A_16, %add3A_17 : i32
    "tpu.region"() ({
      %run_scoped3A = tpu.sem_alloc : memref<!tpu.dma_semaphore, #tpu.memory_space<semaphore_mem>>
      %dma_start3A = arith.constant 0 : i32
      %dma_start3A_45 = tpu.memref_slice %arg11[%add3A_18, %dma_start3A] : memref<50000x32xf32, #tpu.memory_space<vmem_shared>> -> memref<400x32xf32, #tpu.memory_space<vmem_shared>>
      %dma_start3A_46 = arith.constant 0 : i32
      %dma_start3A_47 = tpu.memref_slice %arg11[%add3A_18, %dma_start3A_46] : memref<50000x32xf32, #tpu.memory_space<vmem_shared>> -> memref<400x32xf32, #tpu.memory_space<vmem_shared>>
      tpu.enqueue_dma source(%arg10 : memref<400x32xf32, #tpu.memory_space<vmem>>) target(%dma_start3A_47 : memref<400x32xf32, #tpu.memory_space<vmem_shared>>) target_semaphore(%run_scoped3A : memref<!tpu.dma_semaphore, #tpu.memory_space<semaphore_mem>>)
      %dma_wait3A = arith.constant 0 : i32
      %dma_wait3A_48 = tpu.memref_slice %arg11[%add3A_18, %dma_wait3A] : memref<50000x32xf32, #tpu.memory_space<vmem_shared>> -> memref<400x32xf32, #tpu.memory_space<vmem_shared>>
      %dma_wait3A_49 = arith.constant 0 : i32
      %dma_wait3A_50 = tpu.memref_slice %arg11[%add3A_18, %dma_wait3A_49] : memref<50000x32xf32, #tpu.memory_space<vmem_shared>> -> memref<400x32xf32, #tpu.memory_space<vmem_shared>>
      tpu.wait_dma2 semaphore(%run_scoped3A : memref<!tpu.dma_semaphore, #tpu.memory_space<semaphore_mem>>) src(%arg10 : memref<400x32xf32, #tpu.memory_space<vmem>>) dst(%dma_wait3A_50 : memref<400x32xf32, #tpu.memory_space<vmem_shared>>)
      tpu.yield
    }) : () -> ()
    %mul3A_19 = arith.constant 3125 : i32
    %mul3A_20 = arith.muli %arg1, %mul3A_19 : i32
    %add3A_21 = arith.constant 1600 : i32
    %add3A_22 = arith.addi %mul3A_20, %add3A_21 : i32
    "tpu.region"() ({
      %run_scoped3A = tpu.sem_alloc : memref<!tpu.dma_semaphore, #tpu.memory_space<semaphore_mem>>
      %dma_start3A = arith.constant 0 : i32
      %dma_start3A_45 = tpu.memref_slice %arg11[%add3A_22, %dma_start3A] : memref<50000x32xf32, #tpu.memory_space<vmem_shared>> -> memref<400x32xf32, #tpu.memory_space<vmem_shared>>
      %dma_start3A_46 = arith.constant 0 : i32
      %dma_start3A_47 = tpu.memref_slice %arg11[%add3A_22, %dma_start3A_46] : memref<50000x32xf32, #tpu.memory_space<vmem_shared>> -> memref<400x32xf32, #tpu.memory_space<vmem_shared>>
      tpu.enqueue_dma source(%arg10 : memref<400x32xf32, #tpu.memory_space<vmem>>) target(%dma_start3A_47 : memref<400x32xf32, #tpu.memory_space<vmem_shared>>) target_semaphore(%run_scoped3A : memref<!tpu.dma_semaphore, #tpu.memory_space<semaphore_mem>>)
      %dma_wait3A = arith.constant 0 : i32
      %dma_wait3A_48 = tpu.memref_slice %arg11[%add3A_22, %dma_wait3A] : memref<50000x32xf32, #tpu.memory_space<vmem_shared>> -> memref<400x32xf32, #tpu.memory_space<vmem_shared>>
      %dma_wait3A_49 = arith.constant 0 : i32
      %dma_wait3A_50 = tpu.memref_slice %arg11[%add3A_22, %dma_wait3A_49] : memref<50000x32xf32, #tpu.memory_space<vmem_shared>> -> memref<400x32xf32, #tpu.memory_space<vmem_shared>>
      tpu.wait_dma2 semaphore(%run_scoped3A : memref<!tpu.dma_semaphore, #tpu.memory_space<semaphore_mem>>) src(%arg10 : memref<400x32xf32, #tpu.memory_space<vmem>>) dst(%dma_wait3A_50 : memref<400x32xf32, #tpu.memory_space<vmem_shared>>)
      tpu.yield
    }) : () -> ()
    %mul3A_23 = arith.constant 3125 : i32
    %mul3A_24 = arith.muli %arg1, %mul3A_23 : i32
    %add3A_25 = arith.constant 2000 : i32
    %add3A_26 = arith.addi %mul3A_24, %add3A_25 : i32
    "tpu.region"() ({
      %run_scoped3A = tpu.sem_alloc : memref<!tpu.dma_semaphore, #tpu.memory_space<semaphore_mem>>
      %dma_start3A = arith.constant 0 : i32
      %dma_start3A_45 = tpu.memref_slice %arg11[%add3A_26, %dma_start3A] : memref<50000x32xf32, #tpu.memory_space<vmem_shared>> -> memref<400x32xf32, #tpu.memory_space<vmem_shared>>
      %dma_start3A_46 = arith.constant 0 : i32
      %dma_start3A_47 = tpu.memref_slice %arg11[%add3A_26, %dma_start3A_46] : memref<50000x32xf32, #tpu.memory_space<vmem_shared>> -> memref<400x32xf32, #tpu.memory_space<vmem_shared>>
      tpu.enqueue_dma source(%arg10 : memref<400x32xf32, #tpu.memory_space<vmem>>) target(%dma_start3A_47 : memref<400x32xf32, #tpu.memory_space<vmem_shared>>) target_semaphore(%run_scoped3A : memref<!tpu.dma_semaphore, #tpu.memory_space<semaphore_mem>>)
      %dma_wait3A = arith.constant 0 : i32
      %dma_wait3A_48 = tpu.memref_slice %arg11[%add3A_26, %dma_wait3A] : memref<50000x32xf32, #tpu.memory_space<vmem_shared>> -> memref<400x32xf32, #tpu.memory_space<vmem_shared>>
      %dma_wait3A_49 = arith.constant 0 : i32
      %dma_wait3A_50 = tpu.memref_slice %arg11[%add3A_26, %dma_wait3A_49] : memref<50000x32xf32, #tpu.memory_space<vmem_shared>> -> memref<400x32xf32, #tpu.memory_space<vmem_shared>>
      tpu.wait_dma2 semaphore(%run_scoped3A : memref<!tpu.dma_semaphore, #tpu.memory_space<semaphore_mem>>) src(%arg10 : memref<400x32xf32, #tpu.memory_space<vmem>>) dst(%dma_wait3A_50 : memref<400x32xf32, #tpu.memory_space<vmem_shared>>)
      tpu.yield
    }) : () -> ()
    %mul3A_27 = arith.constant 3125 : i32
    %mul3A_28 = arith.muli %arg1, %mul3A_27 : i32
    %add3A_29 = arith.constant 2400 : i32
    %add3A_30 = arith.addi %mul3A_28, %add3A_29 : i32
    "tpu.region"() ({
      %run_scoped3A = tpu.sem_alloc : memref<!tpu.dma_semaphore, #tpu.memory_space<semaphore_mem>>
      %dma_start3A = arith.constant 0 : i32
      %dma_start3A_45 = tpu.memref_slice %arg11[%add3A_30, %dma_start3A] : memref<50000x32xf32, #tpu.memory_space<vmem_shared>> -> memref<400x32xf32, #tpu.memory_space<vmem_shared>>
      %dma_start3A_46 = arith.constant 0 : i32
      %dma_start3A_47 = tpu.memref_slice %arg11[%add3A_30, %dma_start3A_46] : memref<50000x32xf32, #tpu.memory_space<vmem_shared>> -> memref<400x32xf32, #tpu.memory_space<vmem_shared>>
      tpu.enqueue_dma source(%arg10 : memref<400x32xf32, #tpu.memory_space<vmem>>) target(%dma_start3A_47 : memref<400x32xf32, #tpu.memory_space<vmem_shared>>) target_semaphore(%run_scoped3A : memref<!tpu.dma_semaphore, #tpu.memory_space<semaphore_mem>>)
      %dma_wait3A = arith.constant 0 : i32
      %dma_wait3A_48 = tpu.memref_slice %arg11[%add3A_30, %dma_wait3A] : memref<50000x32xf32, #tpu.memory_space<vmem_shared>> -> memref<400x32xf32, #tpu.memory_space<vmem_shared>>
      %dma_wait3A_49 = arith.constant 0 : i32
      %dma_wait3A_50 = tpu.memref_slice %arg11[%add3A_30, %dma_wait3A_49] : memref<50000x32xf32, #tpu.memory_space<vmem_shared>> -> memref<400x32xf32, #tpu.memory_space<vmem_shared>>
      tpu.wait_dma2 semaphore(%run_scoped3A : memref<!tpu.dma_semaphore, #tpu.memory_space<semaphore_mem>>) src(%arg10 : memref<400x32xf32, #tpu.memory_space<vmem>>) dst(%dma_wait3A_50 : memref<400x32xf32, #tpu.memory_space<vmem_shared>>)
      tpu.yield
    }) : () -> ()
    %mul3A_31 = arith.constant 3125 : i32
    %mul3A_32 = arith.muli %arg1, %mul3A_31 : i32
    %add3A_33 = arith.constant 3125 : i32
    %add3A_34 = arith.addi %mul3A_32, %add3A_33 : i32
    %sub3A = arith.constant 325 : i32
    %sub3A_35 = arith.subi %add3A_34, %sub3A : i32
    "tpu.region"() ({
      %run_scoped3A = tpu.sem_alloc : memref<!tpu.dma_semaphore, #tpu.memory_space<semaphore_mem>>
      %dma_start3A = arith.constant 0 : i32
      %dma_start3A_45 = arith.constant 0 : i32
      %dma_start3A_46 = tpu.memref_slice %arg10[%dma_start3A, %dma_start3A_45] : memref<400x32xf32, #tpu.memory_space<vmem>> -> memref<325x32xf32, #tpu.memory_space<vmem>>
      %dma_start3A_47 = arith.constant 0 : i32
      %dma_start3A_48 = tpu.memref_slice %arg11[%sub3A_35, %dma_start3A_47] : memref<50000x32xf32, #tpu.memory_space<vmem_shared>> -> memref<325x32xf32, #tpu.memory_space<vmem_shared>>
      %dma_start3A_49 = arith.constant 0 : i32
      %dma_start3A_50 = tpu.memref_slice %arg11[%sub3A_35, %dma_start3A_49] : memref<50000x32xf32, #tpu.memory_space<vmem_shared>> -> memref<325x32xf32, #tpu.memory_space<vmem_shared>>
      %dma_start3A_51 = arith.constant 0 : i32
      %dma_start3A_52 = arith.constant 0 : i32
      %dma_start3A_53 = tpu.memref_slice %arg10[%dma_start3A_51, %dma_start3A_52] : memref<400x32xf32, #tpu.memory_space<vmem>> -> memref<325x32xf32, #tpu.memory_space<vmem>>
      tpu.enqueue_dma source(%dma_start3A_53 : memref<325x32xf32, #tpu.memory_space<vmem>>) target(%dma_start3A_50 : memref<325x32xf32, #tpu.memory_space<vmem_shared>>) target_semaphore(%run_scoped3A : memref<!tpu.dma_semaphore, #tpu.memory_space<semaphore_mem>>)
      %dma_wait3A = arith.constant 0 : i32
      %dma_wait3A_54 = arith.constant 0 : i32
      %dma_wait3A_55 = tpu.memref_slice %arg10[%dma_wait3A, %dma_wait3A_54] : memref<400x32xf32, #tpu.memory_space<vmem>> -> memref<325x32xf32, #tpu.memory_space<vmem>>
      %dma_wait3A_56 = arith.constant 0 : i32
      %dma_wait3A_57 = tpu.memref_slice %arg11[%sub3A_35, %dma_wait3A_56] : memref<50000x32xf32, #tpu.memory_space<vmem_shared>> -> memref<325x32xf32, #tpu.memory_space<vmem_shared>>
      %dma_wait3A_58 = arith.constant 0 : i32
      %dma_wait3A_59 = tpu.memref_slice %arg11[%sub3A_35, %dma_wait3A_58] : memref<50000x32xf32, #tpu.memory_space<vmem_shared>> -> memref<325x32xf32, #tpu.memory_space<vmem_shared>>
      %dma_wait3A_60 = arith.constant 0 : i32
      %dma_wait3A_61 = arith.constant 0 : i32
      %dma_wait3A_62 = tpu.memref_slice %arg10[%dma_wait3A_60, %dma_wait3A_61] : memref<400x32xf32, #tpu.memory_space<vmem>> -> memref<325x32xf32, #tpu.memory_space<vmem>>
      tpu.wait_dma2 semaphore(%run_scoped3A : memref<!tpu.dma_semaphore, #tpu.memory_space<semaphore_mem>>) src(%dma_wait3A_62 : memref<325x32xf32, #tpu.memory_space<vmem>>) dst(%dma_wait3A_59 : memref<325x32xf32, #tpu.memory_space<vmem_shared>>)
      tpu.yield
    }) : () -> ()
    %barrier3A = arith.constant 0 : index
    tpu.barrier barrier_id(%barrier3A)
    %scan3A_36 = arith.constant 0 : i32
    %scan3A_37 = arith.constant 0 : i32
    %scan3A_38 = arith.constant 125 : i32
    %scan3A_39 = arith.addi %scan3A_37, %scan3A_38 : i32
    %scan3A_40 = arith.constant 1 : i32
    scf.for %scan3A_45 = %scan3A_37 to %scan3A_39 step %scan3A_40  : i32 {
      %mul3A_46 = arith.constant 50000 : i32
      %mul3A_47 = arith.muli %arg1, %mul3A_46 : i32
      %mul3A_48 = arith.constant 400 : i32
      %mul3A_49 = arith.muli %scan3A_45, %mul3A_48 : i32
      %add3A_50 = arith.addi %mul3A_47, %mul3A_49 : i32
      %multiple_of3A = tpu.assume_multiple %add3A_50, 8 : i32
      "tpu.region"() ({
        %run_scoped3A = tpu.sem_alloc : memref<!tpu.dma_semaphore, #tpu.memory_space<semaphore_mem>>
        %dma_start3A_67 = tpu.memref_slice %arg4[%multiple_of3A] : memref<800000xi32, #tpu.memory_space<hbm>> -> memref<400xi32, #tpu.memory_space<hbm>>
        %dma_start3A_68 = tpu.memref_slice %arg4[%multiple_of3A] : memref<800000xi32, #tpu.memory_space<hbm>> -> memref<400xi32, #tpu.memory_space<hbm>>
        tpu.enqueue_dma source(%dma_start3A_68 : memref<400xi32, #tpu.memory_space<hbm>>) target(%arg7 : memref<400xi32, #tpu.memory_space<vmem>>) target_semaphore(%run_scoped3A : memref<!tpu.dma_semaphore, #tpu.memory_space<semaphore_mem>>)
        %dma_wait3A_69 = tpu.memref_slice %arg4[%multiple_of3A] : memref<800000xi32, #tpu.memory_space<hbm>> -> memref<400xi32, #tpu.memory_space<hbm>>
        %dma_wait3A_70 = tpu.memref_slice %arg4[%multiple_of3A] : memref<800000xi32, #tpu.memory_space<hbm>> -> memref<400xi32, #tpu.memory_space<hbm>>
        tpu.wait_dma2 semaphore(%run_scoped3A : memref<!tpu.dma_semaphore, #tpu.memory_space<semaphore_mem>>) src(%dma_wait3A_70 : memref<400xi32, #tpu.memory_space<hbm>>) dst(%arg7 : memref<400xi32, #tpu.memory_space<vmem>>)
        tpu.yield
      }) : () -> ()
      "tpu.region"() ({
        %run_scoped3A = tpu.sem_alloc : memref<!tpu.dma_semaphore, #tpu.memory_space<semaphore_mem>>
        %dma_start3A_67 = tpu.memref_slice %arg3[%multiple_of3A] : memref<800000xi32, #tpu.memory_space<hbm>> -> memref<400xi32, #tpu.memory_space<hbm>>
        %dma_start3A_68 = tpu.memref_slice %arg3[%multiple_of3A] : memref<800000xi32, #tpu.memory_space<hbm>> -> memref<400xi32, #tpu.memory_space<hbm>>
        tpu.enqueue_dma source(%dma_start3A_68 : memref<400xi32, #tpu.memory_space<hbm>>) target(%arg8 : memref<400xi32, #tpu.memory_space<vmem>>) target_semaphore(%run_scoped3A : memref<!tpu.dma_semaphore, #tpu.memory_space<semaphore_mem>>)
        %dma_wait3A_69 = tpu.memref_slice %arg3[%multiple_of3A] : memref<800000xi32, #tpu.memory_space<hbm>> -> memref<400xi32, #tpu.memory_space<hbm>>
        %dma_wait3A_70 = tpu.memref_slice %arg3[%multiple_of3A] : memref<800000xi32, #tpu.memory_space<hbm>> -> memref<400xi32, #tpu.memory_space<hbm>>
        tpu.wait_dma2 semaphore(%run_scoped3A : memref<!tpu.dma_semaphore, #tpu.memory_space<semaphore_mem>>) src(%dma_wait3A_70 : memref<400xi32, #tpu.memory_space<hbm>>) dst(%arg8 : memref<400xi32, #tpu.memory_space<vmem>>)
        tpu.yield
      }) : () -> ()
      "tpu.region"() ({
        %run_scoped3A = tpu.sem_alloc : memref<!tpu.dma_semaphore, #tpu.memory_space<semaphore_mem>>
        %dma_start3A_67 = tpu.memref_slice %arg5[%multiple_of3A] : memref<800000xf32, #tpu.memory_space<hbm>> -> memref<400xf32, #tpu.memory_space<hbm>>
        %dma_start3A_68 = tpu.memref_slice %arg5[%multiple_of3A] : memref<800000xf32, #tpu.memory_space<hbm>> -> memref<400xf32, #tpu.memory_space<hbm>>
        tpu.enqueue_dma source(%dma_start3A_68 : memref<400xf32, #tpu.memory_space<hbm>>) target(%arg9 : memref<400xf32, #tpu.memory_space<vmem>>) target_semaphore(%run_scoped3A : memref<!tpu.dma_semaphore, #tpu.memory_space<semaphore_mem>>)
        %dma_wait3A_69 = tpu.memref_slice %arg5[%multiple_of3A] : memref<800000xf32, #tpu.memory_space<hbm>> -> memref<400xf32, #tpu.memory_space<hbm>>
        %dma_wait3A_70 = tpu.memref_slice %arg5[%multiple_of3A] : memref<800000xf32, #tpu.memory_space<hbm>> -> memref<400xf32, #tpu.memory_space<hbm>>
        tpu.wait_dma2 semaphore(%run_scoped3A : memref<!tpu.dma_semaphore, #tpu.memory_space<semaphore_mem>>) src(%dma_wait3A_70 : memref<400xf32, #tpu.memory_space<hbm>>) dst(%arg9 : memref<400xf32, #tpu.memory_space<vmem>>)
        tpu.yield
      }) : () -> ()
      %scan3A_51 = arith.constant 0 : i32
      %scan3A_52 = arith.constant 0 : i32
      %scan3A_53 = arith.constant 25 : i32
      %scan3A_54 = arith.addi %scan3A_52, %scan3A_53 : i32
      %scan3A_55 = arith.constant 1 : i32
      scf.for %scan3A_67 = %scan3A_52 to %scan3A_54 step %scan3A_55  : i32 {
        %mul3A_68 = arith.constant 16 : i32
        %mul3A_69 = arith.muli %scan3A_67, %mul3A_68 : i32
        %get3A = arith.index_cast %mul3A_69 : i32 to index
        %get3A_70 = tpu.vector_load %arg7[%get3A] {strides = array<i32>} : memref<400xi32, #tpu.memory_space<vmem>>, vector<16xi32>,
        %get3A_71 = vector.shape_cast %get3A_70 : vector<16xi32> to vector<16xi32>
        %mul3A_72 = arith.constant 2 : i32
        %mul3A_73 = vector.broadcast %mul3A_72 : i32 to vector<16xi32>
        %mul3A_74 = arith.muli %get3A_71, %mul3A_73 : vector<16xi32>
        %add3A_75 = vector.broadcast %arg0 : i32 to vector<16xi32>
        %add3A_76 = arith.addi %mul3A_74, %add3A_75 : vector<16xi32>
        %mul3A_77 = arith.constant 16 : i32
        %mul3A_78 = arith.muli %scan3A_67, %mul3A_77 : i32
        %swap3A = arith.index_cast %mul3A_78 : i32 to index
        %swap3A_79 = tpu.vector_load %arg7[%swap3A] {strides = array<i32>} : memref<400xi32, #tpu.memory_space<vmem>>, vector<16xi32>,
        %swap3A_80 = vector.shape_cast %swap3A_79 : vector<16xi32> to vector<16xi32>
        %swap3A_81 = vector.shape_cast %add3A_76 : vector<16xi32> to vector<16xi32>
        tpu.vector_store %arg7[%swap3A], %swap3A_81 {strides = array<i32>} : memref<400xi32, #tpu.memory_space<vmem>>, vector<16xi32>,
      }
      %scan3A_56 = arith.constant 25 : i32
      %dma_start3A = arith.constant 0 : i32
      %dma_start3A_57 = arith.constant 0 : i32
      %dma_start3A_58 = tpu.memref_slice %arg2[%dma_start3A, %dma_start3A_57] : memref<100000x32xf32, #tpu.memory_space<hbm>> -> memref<100000x32xf32, #tpu.memory_space<hbm>>
      tpu.enqueue_indirect_dma source(%dma_start3A_58 : memref<100000x32xf32, #tpu.memory_space<hbm>>) target(%arg10 : memref<400x32xf32, #tpu.memory_space<vmem>>) offsets(%arg7 : memref<400xi32, #tpu.memory_space<vmem>>) semaphore(%arg12 : memref<!tpu.dma_semaphore, #tpu.memory_space<semaphore_mem>>)
      %dma_wait3A = arith.constant 0 : i32
      %dma_wait3A_59 = arith.constant 0 : i32
      %dma_wait3A_60 = tpu.memref_slice %arg2[%dma_wait3A, %dma_wait3A_59] : memref<100000x32xf32, #tpu.memory_space<hbm>> -> memref<100000x32xf32, #tpu.memory_space<hbm>>
      tpu.wait_indirect_dma semaphore(%arg12 : memref<!tpu.dma_semaphore, #tpu.memory_space<semaphore_mem>>) src(%dma_wait3A_60 : memref<100000x32xf32, #tpu.memory_space<hbm>>) dst(%arg10 : memref<400x32xf32, #tpu.memory_space<vmem>>)
      %scan3A_61 = arith.constant 0 : i32
      %scan3A_62 = arith.constant 0 : i32
      %scan3A_63 = arith.constant 25 : i32
      %scan3A_64 = arith.addi %scan3A_62, %scan3A_63 : i32
      %scan3A_65 = arith.constant 1 : i32
      scf.for %scan3A_67 = %scan3A_62 to %scan3A_64 step %scan3A_65  : i32 {
        %mul3A_68 = arith.constant 16 : i32
        %mul3A_69 = arith.muli %scan3A_67, %mul3A_68 : i32
        %get3A = arith.index_cast %mul3A_69 : i32 to index
        %get3A_70 = tpu.vector_load %arg9[%get3A] {strides = array<i32>} : memref<400xf32, #tpu.memory_space<vmem>>, vector<16xf32>,
        %get3A_71 = vector.shape_cast %get3A_70 : vector<16xf32> to vector<16xf32>
        %mul3A_72 = arith.constant 16 : i32
        %mul3A_73 = arith.muli %scan3A_67, %mul3A_72 : i32
        %add3A_74 = arith.constant 0 : i32
        %add3A_75 = arith.addi %mul3A_73, %add3A_74 : i32
        %slice3A = vector.extract_strided_slice %get3A_71 {offsets = [0], sizes = [1], strides = [1]} : vector<16xf32> to vector<1xf32>
        %squeeze3A = vector.extract %slice3A[0] : f32 from vector<1xf32>
        %get3A_76 = arith.index_cast %add3A_75 : i32 to index
        %get3A_77 = arith.constant 0 : index
        %get3A_78 = tpu.vector_load %arg10[%get3A_76, %get3A_77] {strides = array<i32>} : memref<400x32xf32, #tpu.memory_space<vmem>>, vector<1x16xf32>,
        %get3A_79 = vector.shape_cast %get3A_78 : vector<1x16xf32> to vector<16xf32>
        %mul3A_80 = vector.broadcast %squeeze3A : f32 to vector<16xf32>
        %mul3A_81 = arith.mulf %get3A_79, %mul3A_80 : vector<16xf32>
        %swap3A = arith.index_cast %add3A_75 : i32 to index
        %swap3A_82 = arith.constant 0 : index
        %swap3A_83 = tpu.vector_load %arg10[%swap3A, %swap3A_82] {strides = array<i32>} : memref<400x32xf32, #tpu.memory_space<vmem>>, vector<1x16xf32>,
        %swap3A_84 = vector.shape_cast %swap3A_83 : vector<1x16xf32> to vector<16xf32>
        %swap3A_85 = vector.shape_cast %mul3A_81 : vector<16xf32> to vector<1x16xf32>
        tpu.vector_store %arg10[%swap3A, %swap3A_82], %swap3A_85 {strides = array<i32>} : memref<400x32xf32, #tpu.memory_space<vmem>>, vector<1x16xf32>,
        %get3A_86 = arith.index_cast %add3A_75 : i32 to index
        %get3A_87 = arith.constant 16 : index
        %get3A_88 = tpu.vector_load %arg10[%get3A_86, %get3A_87] {strides = array<i32>} : memref<400x32xf32, #tpu.memory_space<vmem>>, vector<1x16xf32>,
        %get3A_89 = vector.shape_cast %get3A_88 : vector<1x16xf32> to vector<16xf32>
        %mul3A_90 = vector.broadcast %squeeze3A : f32 to vector<16xf32>
        %mul3A_91 = arith.mulf %get3A_89, %mul3A_90 : vector<16xf32>
        %swap3A_92 = arith.index_cast %add3A_75 : i32 to index
        %swap3A_93 = arith.constant 16 : index
        %swap3A_94 = tpu.vector_load %arg10[%swap3A_92, %swap3A_93] {strides = array<i32>} : memref<400x32xf32, #tpu.memory_space<vmem>>, vector<1x16xf32>,
        %swap3A_95 = vector.shape_cast %swap3A_94 : vector<1x16xf32> to vector<16xf32>
        %swap3A_96 = vector.shape_cast %mul3A_91 : vector<16xf32> to vector<1x16xf32>
        tpu.vector_store %arg10[%swap3A_92, %swap3A_93], %swap3A_96 {strides = array<i32>} : memref<400x32xf32, #tpu.memory_space<vmem>>, vector<1x16xf32>,
        %mul3A_97 = arith.constant 16 : i32
        %mul3A_98 = arith.muli %scan3A_67, %mul3A_97 : i32
        %add3A_99 = arith.constant 1 : i32
        %add3A_100 = arith.addi %mul3A_98, %add3A_99 : i32
        %slice3A_101 = vector.extract_strided_slice %get3A_71 {offsets = [1], sizes = [1], strides = [1]} : vector<16xf32> to vector<1xf32>
        %squeeze3A_102 = vector.extract %slice3A_101[0] : f32 from vector<1xf32>
        %get3A_103 = arith.index_cast %add3A_100 : i32 to index
        %get3A_104 = arith.constant 0 : index
        %get3A_105 = tpu.vector_load %arg10[%get3A_103, %get3A_104] {strides = array<i32>} : memref<400x32xf32, #tpu.memory_space<vmem>>, vector<1x16xf32>,
        %get3A_106 = vector.shape_cast %get3A_105 : vector<1x16xf32> to vector<16xf32>
        %mul3A_107 = vector.broadcast %squeeze3A_102 : f32 to vector<16xf32>
        %mul3A_108 = arith.mulf %get3A_106, %mul3A_107 : vector<16xf32>
        %swap3A_109 = arith.index_cast %add3A_100 : i32 to index
        %swap3A_110 = arith.constant 0 : index
        %swap3A_111 = tpu.vector_load %arg10[%swap3A_109, %swap3A_110] {strides = array<i32>} : memref<400x32xf32, #tpu.memory_space<vmem>>, vector<1x16xf32>,
        %swap3A_112 = vector.shape_cast %swap3A_111 : vector<1x16xf32> to vector<16xf32>
        %swap3A_113 = vector.shape_cast %mul3A_108 : vector<16xf32> to vector<1x16xf32>
        tpu.vector_store %arg10[%swap3A_109, %swap3A_110], %swap3A_113 {strides = array<i32>} : memref<400x32xf32, #tpu.memory_space<vmem>>, vector<1x16xf32>,
        %get3A_114 = arith.index_cast %add3A_100 : i32 to index
        %get3A_115 = arith.constant 16 : index
        %get3A_116 = tpu.vector_load %arg10[%get3A_114, %get3A_115] {strides = array<i32>} : memref<400x32xf32, #tpu.memory_space<vmem>>, vector<1x16xf32>,
        %get3A_117 = vector.shape_cast %get3A_116 : vector<1x16xf32> to vector<16xf32>
        %mul3A_118 = vector.broadcast %squeeze3A_102 : f32 to vector<16xf32>
        %mul3A_119 = arith.mulf %get3A_117, %mul3A_118 : vector<16xf32>
        %swap3A_120 = arith.index_cast %add3A_100 : i32 to index
        %swap3A_121 = arith.constant 16 : index
        %swap3A_122 = tpu.vector_load %arg10[%swap3A_120, %swap3A_121] {strides = array<i32>} : memref<400x32xf32, #tpu.memory_space<vmem>>, vector<1x16xf32>,
        %swap3A_123 = vector.shape_cast %swap3A_122 : vector<1x16xf32> to vector<16xf32>
        %swap3A_124 = vector.shape_cast %mul3A_119 : vector<16xf32> to vector<1x16xf32>
        tpu.vector_store %arg10[%swap3A_120, %swap3A_121], %swap3A_124 {strides = array<i32>} : memref<400x32xf32, #tpu.memory_space<vmem>>, vector<1x16xf32>,
        %mul3A_125 = arith.constant 16 : i32
        %mul3A_126 = arith.muli %scan3A_67, %mul3A_125 : i32
        %add3A_127 = arith.constant 2 : i32
        %add3A_128 = arith.addi %mul3A_126, %add3A_127 : i32
        %slice3A_129 = vector.extract_strided_slice %get3A_71 {offsets = [2], sizes = [1], strides = [1]} : vector<16xf32> to vector<1xf32>
        %squeeze3A_130 = vector.extract %slice3A_129[0] : f32 from vector<1xf32>
        %get3A_131 = arith.index_cast %add3A_128 : i32 to index
        %get3A_132 = arith.constant 0 : index
        %get3A_133 = tpu.vector_load %arg10[%get3A_131, %get3A_132] {strides = array<i32>} : memref<400x32xf32, #tpu.memory_space<vmem>>, vector<1x16xf32>,
        %get3A_134 = vector.shape_cast %get3A_133 : vector<1x16xf32> to vector<16xf32>
        %mul3A_135 = vector.broadcast %squeeze3A_130 : f32 to vector<16xf32>
        %mul3A_136 = arith.mulf %get3A_134, %mul3A_135 : vector<16xf32>
        %swap3A_137 = arith.index_cast %add3A_128 : i32 to index
        %swap3A_138 = arith.constant 0 : index
        %swap3A_139 = tpu.vector_load %arg10[%swap3A_137, %swap3A_138] {strides = array<i32>} : memref<400x32xf32, #tpu.memory_space<vmem>>, vector<1x16xf32>,
        %swap3A_140 = vector.shape_cast %swap3A_139 : vector<1x16xf32> to vector<16xf32>
        %swap3A_141 = vector.shape_cast %mul3A_136 : vector<16xf32> to vector<1x16xf32>
        tpu.vector_store %arg10[%swap3A_137, %swap3A_138], %swap3A_141 {strides = array<i32>} : memref<400x32xf32, #tpu.memory_space<vmem>>, vector<1x16xf32>,
        %get3A_142 = arith.index_cast %add3A_128 : i32 to index
        %get3A_143 = arith.constant 16 : index
        %get3A_144 = tpu.vector_load %arg10[%get3A_142, %get3A_143] {strides = array<i32>} : memref<400x32xf32, #tpu.memory_space<vmem>>, vector<1x16xf32>,
        %get3A_145 = vector.shape_cast %get3A_144 : vector<1x16xf32> to vector<16xf32>
        %mul3A_146 = vector.broadcast %squeeze3A_130 : f32 to vector<16xf32>
        %mul3A_147 = arith.mulf %get3A_145, %mul3A_146 : vector<16xf32>
        %swap3A_148 = arith.index_cast %add3A_128 : i32 to index
        %swap3A_149 = arith.constant 16 : index
        %swap3A_150 = tpu.vector_load %arg10[%swap3A_148, %swap3A_149] {strides = array<i32>} : memref<400x32xf32, #tpu.memory_space<vmem>>, vector<1x16xf32>,
        %swap3A_151 = vector.shape_cast %swap3A_150 : vector<1x16xf32> to vector<16xf32>
        %swap3A_152 = vector.shape_cast %mul3A_147 : vector<16xf32> to vector<1x16xf32>
        tpu.vector_store %arg10[%swap3A_148, %swap3A_149], %swap3A_152 {strides = array<i32>} : memref<400x32xf32, #tpu.memory_space<vmem>>, vector<1x16xf32>,
        %mul3A_153 = arith.constant 16 : i32
        %mul3A_154 = arith.muli %scan3A_67, %mul3A_153 : i32
        %add3A_155 = arith.constant 3 : i32
        %add3A_156 = arith.addi %mul3A_154, %add3A_155 : i32
        %slice3A_157 = vector.extract_strided_slice %get3A_71 {offsets = [3], sizes = [1], strides = [1]} : vector<16xf32> to vector<1xf32>
        %squeeze3A_158 = vector.extract %slice3A_157[0] : f32 from vector<1xf32>
        %get3A_159 = arith.index_cast %add3A_156 : i32 to index
        %get3A_160 = arith.constant 0 : index
        %get3A_161 = tpu.vector_load %arg10[%get3A_159, %get3A_160] {strides = array<i32>} : memref<400x32xf32, #tpu.memory_space<vmem>>, vector<1x16xf32>,
        %get3A_162 = vector.shape_cast %get3A_161 : vector<1x16xf32> to vector<16xf32>
        %mul3A_163 = vector.broadcast %squeeze3A_158 : f32 to vector<16xf32>
        %mul3A_164 = arith.mulf %get3A_162, %mul3A_163 : vector<16xf32>
        %swap3A_165 = arith.index_cast %add3A_156 : i32 to index
        %swap3A_166 = arith.constant 0 : index
        %swap3A_167 = tpu.vector_load %arg10[%swap3A_165, %swap3A_166] {strides = array<i32>} : memref<400x32xf32, #tpu.memory_space<vmem>>, vector<1x16xf32>,
        %swap3A_168 = vector.shape_cast %swap3A_167 : vector<1x16xf32> to vector<16xf32>
        %swap3A_169 = vector.shape_cast %mul3A_164 : vector<16xf32> to vector<1x16xf32>
        tpu.vector_store %arg10[%swap3A_165, %swap3A_166], %swap3A_169 {strides = array<i32>} : memref<400x32xf32, #tpu.memory_space<vmem>>, vector<1x16xf32>,
        %get3A_170 = arith.index_cast %add3A_156 : i32 to index
        %get3A_171 = arith.constant 16 : index
        %get3A_172 = tpu.vector_load %arg10[%get3A_170, %get3A_171] {strides = array<i32>} : memref<400x32xf32, #tpu.memory_space<vmem>>, vector<1x16xf32>,
        %get3A_173 = vector.shape_cast %get3A_172 : vector<1x16xf32> to vector<16xf32>
        %mul3A_174 = vector.broadcast %squeeze3A_158 : f32 to vector<16xf32>
        %mul3A_175 = arith.mulf %get3A_173, %mul3A_174 : vector<16xf32>
        %swap3A_176 = arith.index_cast %add3A_156 : i32 to index
        %swap3A_177 = arith.constant 16 : index
        %swap3A_178 = tpu.vector_load %arg10[%swap3A_176, %swap3A_177] {strides = array<i32>} : memref<400x32xf32, #tpu.memory_space<vmem>>, vector<1x16xf32>,
        %swap3A_179 = vector.shape_cast %swap3A_178 : vector<1x16xf32> to vector<16xf32>
        %swap3A_180 = vector.shape_cast %mul3A_175 : vector<16xf32> to vector<1x16xf32>
        tpu.vector_store %arg10[%swap3A_176, %swap3A_177], %swap3A_180 {strides = array<i32>} : memref<400x32xf32, #tpu.memory_space<vmem>>, vector<1x16xf32>,
        %mul3A_181 = arith.constant 16 : i32
        %mul3A_182 = arith.muli %scan3A_67, %mul3A_181 : i32
        %add3A_183 = arith.constant 4 : i32
        %add3A_184 = arith.addi %mul3A_182, %add3A_183 : i32
        %slice3A_185 = vector.extract_strided_slice %get3A_71 {offsets = [4], sizes = [1], strides = [1]} : vector<16xf32> to vector<1xf32>
        %squeeze3A_186 = vector.extract %slice3A_185[0] : f32 from vector<1xf32>
        %get3A_187 = arith.index_cast %add3A_184 : i32 to index
        %get3A_188 = arith.constant 0 : index
        %get3A_189 = tpu.vector_load %arg10[%get3A_187, %get3A_188] {strides = array<i32>} : memref<400x32xf32, #tpu.memory_space<vmem>>, vector<1x16xf32>,
        %get3A_190 = vector.shape_cast %get3A_189 : vector<1x16xf32> to vector<16xf32>
        %mul3A_191 = vector.broadcast %squeeze3A_186 : f32 to vector<16xf32>
        %mul3A_192 = arith.mulf %get3A_190, %mul3A_191 : vector<16xf32>
        %swap3A_193 = arith.index_cast %add3A_184 : i32 to index
        %swap3A_194 = arith.constant 0 : index
        %swap3A_195 = tpu.vector_load %arg10[%swap3A_193, %swap3A_194] {strides = array<i32>} : memref<400x32xf32, #tpu.memory_space<vmem>>, vector<1x16xf32>,
        %swap3A_196 = vector.shape_cast %swap3A_195 : vector<1x16xf32> to vector<16xf32>
        %swap3A_197 = vector.shape_cast %mul3A_192 : vector<16xf32> to vector<1x16xf32>
        tpu.vector_store %arg10[%swap3A_193, %swap3A_194], %swap3A_197 {strides = array<i32>} : memref<400x32xf32, #tpu.memory_space<vmem>>, vector<1x16xf32>,
        %get3A_198 = arith.index_cast %add3A_184 : i32 to index
        %get3A_199 = arith.constant 16 : index
        %get3A_200 = tpu.vector_load %arg10[%get3A_198, %get3A_199] {strides = array<i32>} : memref<400x32xf32, #tpu.memory_space<vmem>>, vector<1x16xf32>,
        %get3A_201 = vector.shape_cast %get3A_200 : vector<1x16xf32> to vector<16xf32>
        %mul3A_202 = vector.broadcast %squeeze3A_186 : f32 to vector<16xf32>
        %mul3A_203 = arith.mulf %get3A_201, %mul3A_202 : vector<16xf32>
        %swap3A_204 = arith.index_cast %add3A_184 : i32 to index
        %swap3A_205 = arith.constant 16 : index
        %swap3A_206 = tpu.vector_load %arg10[%swap3A_204, %swap3A_205] {strides = array<i32>} : memref<400x32xf32, #tpu.memory_space<vmem>>, vector<1x16xf32>,
        %swap3A_207 = vector.shape_cast %swap3A_206 : vector<1x16xf32> to vector<16xf32>
        %swap3A_208 = vector.shape_cast %mul3A_203 : vector<16xf32> to vector<1x16xf32>
        tpu.vector_store %arg10[%swap3A_204, %swap3A_205], %swap3A_208 {strides = array<i32>} : memref<400x32xf32, #tpu.memory_space<vmem>>, vector<1x16xf32>,
        %mul3A_209 = arith.constant 16 : i32
        %mul3A_210 = arith.muli %scan3A_67, %mul3A_209 : i32
        %add3A_211 = arith.constant 5 : i32
        %add3A_212 = arith.addi %mul3A_210, %add3A_211 : i32
        %slice3A_213 = vector.extract_strided_slice %get3A_71 {offsets = [5], sizes = [1], strides = [1]} : vector<16xf32> to vector<1xf32>
        %squeeze3A_214 = vector.extract %slice3A_213[0] : f32 from vector<1xf32>
        %get3A_215 = arith.index_cast %add3A_212 : i32 to index
        %get3A_216 = arith.constant 0 : index
        %get3A_217 = tpu.vector_load %arg10[%get3A_215, %get3A_216] {strides = array<i32>} : memref<400x32xf32, #tpu.memory_space<vmem>>, vector<1x16xf32>,
        %get3A_218 = vector.shape_cast %get3A_217 : vector<1x16xf32> to vector<16xf32>
        %mul3A_219 = vector.broadcast %squeeze3A_214 : f32 to vector<16xf32>
        %mul3A_220 = arith.mulf %get3A_218, %mul3A_219 : vector<16xf32>
        %swap3A_221 = arith.index_cast %add3A_212 : i32 to index
        %swap3A_222 = arith.constant 0 : index
        %swap3A_223 = tpu.vector_load %arg10[%swap3A_221, %swap3A_222] {strides = array<i32>} : memref<400x32xf32, #tpu.memory_space<vmem>>, vector<1x16xf32>,
        %swap3A_224 = vector.shape_cast %swap3A_223 : vector<1x16xf32> to vector<16xf32>
        %swap3A_225 = vector.shape_cast %mul3A_220 : vector<16xf32> to vector<1x16xf32>
        tpu.vector_store %arg10[%swap3A_221, %swap3A_222], %swap3A_225 {strides = array<i32>} : memref<400x32xf32, #tpu.memory_space<vmem>>, vector<1x16xf32>,
        %get3A_226 = arith.index_cast %add3A_212 : i32 to index
        %get3A_227 = arith.constant 16 : index
        %get3A_228 = tpu.vector_load %arg10[%get3A_226, %get3A_227] {strides = array<i32>} : memref<400x32xf32, #tpu.memory_space<vmem>>, vector<1x16xf32>,
        %get3A_229 = vector.shape_cast %get3A_228 : vector<1x16xf32> to vector<16xf32>
        %mul3A_230 = vector.broadcast %squeeze3A_214 : f32 to vector<16xf32>
        %mul3A_231 = arith.mulf %get3A_229, %mul3A_230 : vector<16xf32>
        %swap3A_232 = arith.index_cast %add3A_212 : i32 to index
        %swap3A_233 = arith.constant 16 : index
        %swap3A_234 = tpu.vector_load %arg10[%swap3A_232, %swap3A_233] {strides = array<i32>} : memref<400x32xf32, #tpu.memory_space<vmem>>, vector<1x16xf32>,
        %swap3A_235 = vector.shape_cast %swap3A_234 : vector<1x16xf32> to vector<16xf32>
        %swap3A_236 = vector.shape_cast %mul3A_231 : vector<16xf32> to vector<1x16xf32>
        tpu.vector_store %arg10[%swap3A_232, %swap3A_233], %swap3A_236 {strides = array<i32>} : memref<400x32xf32, #tpu.memory_space<vmem>>, vector<1x16xf32>,
        %mul3A_237 = arith.constant 16 : i32
        %mul3A_238 = arith.muli %scan3A_67, %mul3A_237 : i32
        %add3A_239 = arith.constant 6 : i32
        %add3A_240 = arith.addi %mul3A_238, %add3A_239 : i32
        %slice3A_241 = vector.extract_strided_slice %get3A_71 {offsets = [6], sizes = [1], strides = [1]} : vector<16xf32> to vector<1xf32>
        %squeeze3A_242 = vector.extract %slice3A_241[0] : f32 from vector<1xf32>
        %get3A_243 = arith.index_cast %add3A_240 : i32 to index
        %get3A_244 = arith.constant 0 : index
        %get3A_245 = tpu.vector_load %arg10[%get3A_243, %get3A_244] {strides = array<i32>} : memref<400x32xf32, #tpu.memory_space<vmem>>, vector<1x16xf32>,
        %get3A_246 = vector.shape_cast %get3A_245 : vector<1x16xf32> to vector<16xf32>
        %mul3A_247 = vector.broadcast %squeeze3A_242 : f32 to vector<16xf32>
        %mul3A_248 = arith.mulf %get3A_246, %mul3A_247 : vector<16xf32>
        %swap3A_249 = arith.index_cast %add3A_240 : i32 to index
        %swap3A_250 = arith.constant 0 : index
        %swap3A_251 = tpu.vector_load %arg10[%swap3A_249, %swap3A_250] {strides = array<i32>} : memref<400x32xf32, #tpu.memory_space<vmem>>, vector<1x16xf32>,
        %swap3A_252 = vector.shape_cast %swap3A_251 : vector<1x16xf32> to vector<16xf32>
        %swap3A_253 = vector.shape_cast %mul3A_248 : vector<16xf32> to vector<1x16xf32>
        tpu.vector_store %arg10[%swap3A_249, %swap3A_250], %swap3A_253 {strides = array<i32>} : memref<400x32xf32, #tpu.memory_space<vmem>>, vector<1x16xf32>,
        %get3A_254 = arith.index_cast %add3A_240 : i32 to index
        %get3A_255 = arith.constant 16 : index
        %get3A_256 = tpu.vector_load %arg10[%get3A_254, %get3A_255] {strides = array<i32>} : memref<400x32xf32, #tpu.memory_space<vmem>>, vector<1x16xf32>,
        %get3A_257 = vector.shape_cast %get3A_256 : vector<1x16xf32> to vector<16xf32>
        %mul3A_258 = vector.broadcast %squeeze3A_242 : f32 to vector<16xf32>
        %mul3A_259 = arith.mulf %get3A_257, %mul3A_258 : vector<16xf32>
        %swap3A_260 = arith.index_cast %add3A_240 : i32 to index
        %swap3A_261 = arith.constant 16 : index
        %swap3A_262 = tpu.vector_load %arg10[%swap3A_260, %swap3A_261] {strides = array<i32>} : memref<400x32xf32, #tpu.memory_space<vmem>>, vector<1x16xf32>,
        %swap3A_263 = vector.shape_cast %swap3A_262 : vector<1x16xf32> to vector<16xf32>
        %swap3A_264 = vector.shape_cast %mul3A_259 : vector<16xf32> to vector<1x16xf32>
        tpu.vector_store %arg10[%swap3A_260, %swap3A_261], %swap3A_264 {strides = array<i32>} : memref<400x32xf32, #tpu.memory_space<vmem>>, vector<1x16xf32>,
        %mul3A_265 = arith.constant 16 : i32
        %mul3A_266 = arith.muli %scan3A_67, %mul3A_265 : i32
        %add3A_267 = arith.constant 7 : i32
        %add3A_268 = arith.addi %mul3A_266, %add3A_267 : i32
        %slice3A_269 = vector.extract_strided_slice %get3A_71 {offsets = [7], sizes = [1], strides = [1]} : vector<16xf32> to vector<1xf32>
        %squeeze3A_270 = vector.extract %slice3A_269[0] : f32 from vector<1xf32>
        %get3A_271 = arith.index_cast %add3A_268 : i32 to index
        %get3A_272 = arith.constant 0 : index
        %get3A_273 = tpu.vector_load %arg10[%get3A_271, %get3A_272] {strides = array<i32>} : memref<400x32xf32, #tpu.memory_space<vmem>>, vector<1x16xf32>,
        %get3A_274 = vector.shape_cast %get3A_273 : vector<1x16xf32> to vector<16xf32>
        %mul3A_275 = vector.broadcast %squeeze3A_270 : f32 to vector<16xf32>
        %mul3A_276 = arith.mulf %get3A_274, %mul3A_275 : vector<16xf32>
        %swap3A_277 = arith.index_cast %add3A_268 : i32 to index
        %swap3A_278 = arith.constant 0 : index
        %swap3A_279 = tpu.vector_load %arg10[%swap3A_277, %swap3A_278] {strides = array<i32>} : memref<400x32xf32, #tpu.memory_space<vmem>>, vector<1x16xf32>,
        %swap3A_280 = vector.shape_cast %swap3A_279 : vector<1x16xf32> to vector<16xf32>
        %swap3A_281 = vector.shape_cast %mul3A_276 : vector<16xf32> to vector<1x16xf32>
        tpu.vector_store %arg10[%swap3A_277, %swap3A_278], %swap3A_281 {strides = array<i32>} : memref<400x32xf32, #tpu.memory_space<vmem>>, vector<1x16xf32>,
        %get3A_282 = arith.index_cast %add3A_268 : i32 to index
        %get3A_283 = arith.constant 16 : index
        %get3A_284 = tpu.vector_load %arg10[%get3A_282, %get3A_283] {strides = array<i32>} : memref<400x32xf32, #tpu.memory_space<vmem>>, vector<1x16xf32>,
        %get3A_285 = vector.shape_cast %get3A_284 : vector<1x16xf32> to vector<16xf32>
        %mul3A_286 = vector.broadcast %squeeze3A_270 : f32 to vector<16xf32>
        %mul3A_287 = arith.mulf %get3A_285, %mul3A_286 : vector<16xf32>
        %swap3A_288 = arith.index_cast %add3A_268 : i32 to index
        %swap3A_289 = arith.constant 16 : index
        %swap3A_290 = tpu.vector_load %arg10[%swap3A_288, %swap3A_289] {strides = array<i32>} : memref<400x32xf32, #tpu.memory_space<vmem>>, vector<1x16xf32>,
        %swap3A_291 = vector.shape_cast %swap3A_290 : vector<1x16xf32> to vector<16xf32>
        %swap3A_292 = vector.shape_cast %mul3A_287 : vector<16xf32> to vector<1x16xf32>
        tpu.vector_store %arg10[%swap3A_288, %swap3A_289], %swap3A_292 {strides = array<i32>} : memref<400x32xf32, #tpu.memory_space<vmem>>, vector<1x16xf32>,
        %mul3A_293 = arith.constant 16 : i32
        %mul3A_294 = arith.muli %scan3A_67, %mul3A_293 : i32
        %add3A_295 = arith.constant 8 : i32
        %add3A_296 = arith.addi %mul3A_294, %add3A_295 : i32
        %slice3A_297 = vector.extract_strided_slice %get3A_71 {offsets = [8], sizes = [1], strides = [1]} : vector<16xf32> to vector<1xf32>
        %squeeze3A_298 = vector.extract %slice3A_297[0] : f32 from vector<1xf32>
        %get3A_299 = arith.index_cast %add3A_296 : i32 to index
        %get3A_300 = arith.constant 0 : index
        %get3A_301 = tpu.vector_load %arg10[%get3A_299, %get3A_300] {strides = array<i32>} : memref<400x32xf32, #tpu.memory_space<vmem>>, vector<1x16xf32>,
        %get3A_302 = vector.shape_cast %get3A_301 : vector<1x16xf32> to vector<16xf32>
        %mul3A_303 = vector.broadcast %squeeze3A_298 : f32 to vector<16xf32>
        %mul3A_304 = arith.mulf %get3A_302, %mul3A_303 : vector<16xf32>
        %swap3A_305 = arith.index_cast %add3A_296 : i32 to index
        %swap3A_306 = arith.constant 0 : index
        %swap3A_307 = tpu.vector_load %arg10[%swap3A_305, %swap3A_306] {strides = array<i32>} : memref<400x32xf32, #tpu.memory_space<vmem>>, vector<1x16xf32>,
        %swap3A_308 = vector.shape_cast %swap3A_307 : vector<1x16xf32> to vector<16xf32>
        %swap3A_309 = vector.shape_cast %mul3A_304 : vector<16xf32> to vector<1x16xf32>
        tpu.vector_store %arg10[%swap3A_305, %swap3A_306], %swap3A_309 {strides = array<i32>} : memref<400x32xf32, #tpu.memory_space<vmem>>, vector<1x16xf32>,
        %get3A_310 = arith.index_cast %add3A_296 : i32 to index
        %get3A_311 = arith.constant 16 : index
        %get3A_312 = tpu.vector_load %arg10[%get3A_310, %get3A_311] {strides = array<i32>} : memref<400x32xf32, #tpu.memory_space<vmem>>, vector<1x16xf32>,
        %get3A_313 = vector.shape_cast %get3A_312 : vector<1x16xf32> to vector<16xf32>
        %mul3A_314 = vector.broadcast %squeeze3A_298 : f32 to vector<16xf32>
        %mul3A_315 = arith.mulf %get3A_313, %mul3A_314 : vector<16xf32>
        %swap3A_316 = arith.index_cast %add3A_296 : i32 to index
        %swap3A_317 = arith.constant 16 : index
        %swap3A_318 = tpu.vector_load %arg10[%swap3A_316, %swap3A_317] {strides = array<i32>} : memref<400x32xf32, #tpu.memory_space<vmem>>, vector<1x16xf32>,
        %swap3A_319 = vector.shape_cast %swap3A_318 : vector<1x16xf32> to vector<16xf32>
        %swap3A_320 = vector.shape_cast %mul3A_315 : vector<16xf32> to vector<1x16xf32>
        tpu.vector_store %arg10[%swap3A_316, %swap3A_317], %swap3A_320 {strides = array<i32>} : memref<400x32xf32, #tpu.memory_space<vmem>>, vector<1x16xf32>,
        %mul3A_321 = arith.constant 16 : i32
        %mul3A_322 = arith.muli %scan3A_67, %mul3A_321 : i32
        %add3A_323 = arith.constant 9 : i32
        %add3A_324 = arith.addi %mul3A_322, %add3A_323 : i32
        %slice3A_325 = vector.extract_strided_slice %get3A_71 {offsets = [9], sizes = [1], strides = [1]} : vector<16xf32> to vector<1xf32>
        %squeeze3A_326 = vector.extract %slice3A_325[0] : f32 from vector<1xf32>
        %get3A_327 = arith.index_cast %add3A_324 : i32 to index
        %get3A_328 = arith.constant 0 : index
        %get3A_329 = tpu.vector_load %arg10[%get3A_327, %get3A_328] {strides = array<i32>} : memref<400x32xf32, #tpu.memory_space<vmem>>, vector<1x16xf32>,
        %get3A_330 = vector.shape_cast %get3A_329 : vector<1x16xf32> to vector<16xf32>
        %mul3A_331 = vector.broadcast %squeeze3A_326 : f32 to vector<16xf32>
        %mul3A_332 = arith.mulf %get3A_330, %mul3A_331 : vector<16xf32>
        %swap3A_333 = arith.index_cast %add3A_324 : i32 to index
        %swap3A_334 = arith.constant 0 : index
        %swap3A_335 = tpu.vector_load %arg10[%swap3A_333, %swap3A_334] {strides = array<i32>} : memref<400x32xf32, #tpu.memory_space<vmem>>, vector<1x16xf32>,
        %swap3A_336 = vector.shape_cast %swap3A_335 : vector<1x16xf32> to vector<16xf32>
        %swap3A_337 = vector.shape_cast %mul3A_332 : vector<16xf32> to vector<1x16xf32>
        tpu.vector_store %arg10[%swap3A_333, %swap3A_334], %swap3A_337 {strides = array<i32>} : memref<400x32xf32, #tpu.memory_space<vmem>>, vector<1x16xf32>,
        %get3A_338 = arith.index_cast %add3A_324 : i32 to index
        %get3A_339 = arith.constant 16 : index
        %get3A_340 = tpu.vector_load %arg10[%get3A_338, %get3A_339] {strides = array<i32>} : memref<400x32xf32, #tpu.memory_space<vmem>>, vector<1x16xf32>,
        %get3A_341 = vector.shape_cast %get3A_340 : vector<1x16xf32> to vector<16xf32>
        %mul3A_342 = vector.broadcast %squeeze3A_326 : f32 to vector<16xf32>
        %mul3A_343 = arith.mulf %get3A_341, %mul3A_342 : vector<16xf32>
        %swap3A_344 = arith.index_cast %add3A_324 : i32 to index
        %swap3A_345 = arith.constant 16 : index
        %swap3A_346 = tpu.vector_load %arg10[%swap3A_344, %swap3A_345] {strides = array<i32>} : memref<400x32xf32, #tpu.memory_space<vmem>>, vector<1x16xf32>,
        %swap3A_347 = vector.shape_cast %swap3A_346 : vector<1x16xf32> to vector<16xf32>
        %swap3A_348 = vector.shape_cast %mul3A_343 : vector<16xf32> to vector<1x16xf32>
        tpu.vector_store %arg10[%swap3A_344, %swap3A_345], %swap3A_348 {strides = array<i32>} : memref<400x32xf32, #tpu.memory_space<vmem>>, vector<1x16xf32>,
        %mul3A_349 = arith.constant 16 : i32
        %mul3A_350 = arith.muli %scan3A_67, %mul3A_349 : i32
        %add3A_351 = arith.constant 10 : i32
        %add3A_352 = arith.addi %mul3A_350, %add3A_351 : i32
        %slice3A_353 = vector.extract_strided_slice %get3A_71 {offsets = [10], sizes = [1], strides = [1]} : vector<16xf32> to vector<1xf32>
        %squeeze3A_354 = vector.extract %slice3A_353[0] : f32 from vector<1xf32>
        %get3A_355 = arith.index_cast %add3A_352 : i32 to index
        %get3A_356 = arith.constant 0 : index
        %get3A_357 = tpu.vector_load %arg10[%get3A_355, %get3A_356] {strides = array<i32>} : memref<400x32xf32, #tpu.memory_space<vmem>>, vector<1x16xf32>,
        %get3A_358 = vector.shape_cast %get3A_357 : vector<1x16xf32> to vector<16xf32>
        %mul3A_359 = vector.broadcast %squeeze3A_354 : f32 to vector<16xf32>
        %mul3A_360 = arith.mulf %get3A_358, %mul3A_359 : vector<16xf32>
        %swap3A_361 = arith.index_cast %add3A_352 : i32 to index
        %swap3A_362 = arith.constant 0 : index
        %swap3A_363 = tpu.vector_load %arg10[%swap3A_361, %swap3A_362] {strides = array<i32>} : memref<400x32xf32, #tpu.memory_space<vmem>>, vector<1x16xf32>,
        %swap3A_364 = vector.shape_cast %swap3A_363 : vector<1x16xf32> to vector<16xf32>
        %swap3A_365 = vector.shape_cast %mul3A_360 : vector<16xf32> to vector<1x16xf32>
        tpu.vector_store %arg10[%swap3A_361, %swap3A_362], %swap3A_365 {strides = array<i32>} : memref<400x32xf32, #tpu.memory_space<vmem>>, vector<1x16xf32>,
        %get3A_366 = arith.index_cast %add3A_352 : i32 to index
        %get3A_367 = arith.constant 16 : index
        %get3A_368 = tpu.vector_load %arg10[%get3A_366, %get3A_367] {strides = array<i32>} : memref<400x32xf32, #tpu.memory_space<vmem>>, vector<1x16xf32>,
        %get3A_369 = vector.shape_cast %get3A_368 : vector<1x16xf32> to vector<16xf32>
        %mul3A_370 = vector.broadcast %squeeze3A_354 : f32 to vector<16xf32>
        %mul3A_371 = arith.mulf %get3A_369, %mul3A_370 : vector<16xf32>
        %swap3A_372 = arith.index_cast %add3A_352 : i32 to index
        %swap3A_373 = arith.constant 16 : index
        %swap3A_374 = tpu.vector_load %arg10[%swap3A_372, %swap3A_373] {strides = array<i32>} : memref<400x32xf32, #tpu.memory_space<vmem>>, vector<1x16xf32>,
        %swap3A_375 = vector.shape_cast %swap3A_374 : vector<1x16xf32> to vector<16xf32>
        %swap3A_376 = vector.shape_cast %mul3A_371 : vector<16xf32> to vector<1x16xf32>
        tpu.vector_store %arg10[%swap3A_372, %swap3A_373], %swap3A_376 {strides = array<i32>} : memref<400x32xf32, #tpu.memory_space<vmem>>, vector<1x16xf32>,
        %mul3A_377 = arith.constant 16 : i32
        %mul3A_378 = arith.muli %scan3A_67, %mul3A_377 : i32
        %add3A_379 = arith.constant 11 : i32
        %add3A_380 = arith.addi %mul3A_378, %add3A_379 : i32
        %slice3A_381 = vector.extract_strided_slice %get3A_71 {offsets = [11], sizes = [1], strides = [1]} : vector<16xf32> to vector<1xf32>
        %squeeze3A_382 = vector.extract %slice3A_381[0] : f32 from vector<1xf32>
        %get3A_383 = arith.index_cast %add3A_380 : i32 to index
        %get3A_384 = arith.constant 0 : index
        %get3A_385 = tpu.vector_load %arg10[%get3A_383, %get3A_384] {strides = array<i32>} : memref<400x32xf32, #tpu.memory_space<vmem>>, vector<1x16xf32>,
        %get3A_386 = vector.shape_cast %get3A_385 : vector<1x16xf32> to vector<16xf32>
        %mul3A_387 = vector.broadcast %squeeze3A_382 : f32 to vector<16xf32>
        %mul3A_388 = arith.mulf %get3A_386, %mul3A_387 : vector<16xf32>
        %swap3A_389 = arith.index_cast %add3A_380 : i32 to index
        %swap3A_390 = arith.constant 0 : index
        %swap3A_391 = tpu.vector_load %arg10[%swap3A_389, %swap3A_390] {strides = array<i32>} : memref<400x32xf32, #tpu.memory_space<vmem>>, vector<1x16xf32>,
        %swap3A_392 = vector.shape_cast %swap3A_391 : vector<1x16xf32> to vector<16xf32>
        %swap3A_393 = vector.shape_cast %mul3A_388 : vector<16xf32> to vector<1x16xf32>
        tpu.vector_store %arg10[%swap3A_389, %swap3A_390], %swap3A_393 {strides = array<i32>} : memref<400x32xf32, #tpu.memory_space<vmem>>, vector<1x16xf32>,
        %get3A_394 = arith.index_cast %add3A_380 : i32 to index
        %get3A_395 = arith.constant 16 : index
        %get3A_396 = tpu.vector_load %arg10[%get3A_394, %get3A_395] {strides = array<i32>} : memref<400x32xf32, #tpu.memory_space<vmem>>, vector<1x16xf32>,
        %get3A_397 = vector.shape_cast %get3A_396 : vector<1x16xf32> to vector<16xf32>
        %mul3A_398 = vector.broadcast %squeeze3A_382 : f32 to vector<16xf32>
        %mul3A_399 = arith.mulf %get3A_397, %mul3A_398 : vector<16xf32>
        %swap3A_400 = arith.index_cast %add3A_380 : i32 to index
        %swap3A_401 = arith.constant 16 : index
        %swap3A_402 = tpu.vector_load %arg10[%swap3A_400, %swap3A_401] {strides = array<i32>} : memref<400x32xf32, #tpu.memory_space<vmem>>, vector<1x16xf32>,
        %swap3A_403 = vector.shape_cast %swap3A_402 : vector<1x16xf32> to vector<16xf32>
        %swap3A_404 = vector.shape_cast %mul3A_399 : vector<16xf32> to vector<1x16xf32>
        tpu.vector_store %arg10[%swap3A_400, %swap3A_401], %swap3A_404 {strides = array<i32>} : memref<400x32xf32, #tpu.memory_space<vmem>>, vector<1x16xf32>,
        %mul3A_405 = arith.constant 16 : i32
        %mul3A_406 = arith.muli %scan3A_67, %mul3A_405 : i32
        %add3A_407 = arith.constant 12 : i32
        %add3A_408 = arith.addi %mul3A_406, %add3A_407 : i32
        %slice3A_409 = vector.extract_strided_slice %get3A_71 {offsets = [12], sizes = [1], strides = [1]} : vector<16xf32> to vector<1xf32>
        %squeeze3A_410 = vector.extract %slice3A_409[0] : f32 from vector<1xf32>
        %get3A_411 = arith.index_cast %add3A_408 : i32 to index
        %get3A_412 = arith.constant 0 : index
        %get3A_413 = tpu.vector_load %arg10[%get3A_411, %get3A_412] {strides = array<i32>} : memref<400x32xf32, #tpu.memory_space<vmem>>, vector<1x16xf32>,
        %get3A_414 = vector.shape_cast %get3A_413 : vector<1x16xf32> to vector<16xf32>
        %mul3A_415 = vector.broadcast %squeeze3A_410 : f32 to vector<16xf32>
        %mul3A_416 = arith.mulf %get3A_414, %mul3A_415 : vector<16xf32>
        %swap3A_417 = arith.index_cast %add3A_408 : i32 to index
        %swap3A_418 = arith.constant 0 : index
        %swap3A_419 = tpu.vector_load %arg10[%swap3A_417, %swap3A_418] {strides = array<i32>} : memref<400x32xf32, #tpu.memory_space<vmem>>, vector<1x16xf32>,
        %swap3A_420 = vector.shape_cast %swap3A_419 : vector<1x16xf32> to vector<16xf32>
        %swap3A_421 = vector.shape_cast %mul3A_416 : vector<16xf32> to vector<1x16xf32>
        tpu.vector_store %arg10[%swap3A_417, %swap3A_418], %swap3A_421 {strides = array<i32>} : memref<400x32xf32, #tpu.memory_space<vmem>>, vector<1x16xf32>,
        %get3A_422 = arith.index_cast %add3A_408 : i32 to index
        %get3A_423 = arith.constant 16 : index
        %get3A_424 = tpu.vector_load %arg10[%get3A_422, %get3A_423] {strides = array<i32>} : memref<400x32xf32, #tpu.memory_space<vmem>>, vector<1x16xf32>,
        %get3A_425 = vector.shape_cast %get3A_424 : vector<1x16xf32> to vector<16xf32>
        %mul3A_426 = vector.broadcast %squeeze3A_410 : f32 to vector<16xf32>
        %mul3A_427 = arith.mulf %get3A_425, %mul3A_426 : vector<16xf32>
        %swap3A_428 = arith.index_cast %add3A_408 : i32 to index
        %swap3A_429 = arith.constant 16 : index
        %swap3A_430 = tpu.vector_load %arg10[%swap3A_428, %swap3A_429] {strides = array<i32>} : memref<400x32xf32, #tpu.memory_space<vmem>>, vector<1x16xf32>,
        %swap3A_431 = vector.shape_cast %swap3A_430 : vector<1x16xf32> to vector<16xf32>
        %swap3A_432 = vector.shape_cast %mul3A_427 : vector<16xf32> to vector<1x16xf32>
        tpu.vector_store %arg10[%swap3A_428, %swap3A_429], %swap3A_432 {strides = array<i32>} : memref<400x32xf32, #tpu.memory_space<vmem>>, vector<1x16xf32>,
        %mul3A_433 = arith.constant 16 : i32
        %mul3A_434 = arith.muli %scan3A_67, %mul3A_433 : i32
        %add3A_435 = arith.constant 13 : i32
        %add3A_436 = arith.addi %mul3A_434, %add3A_435 : i32
        %slice3A_437 = vector.extract_strided_slice %get3A_71 {offsets = [13], sizes = [1], strides = [1]} : vector<16xf32> to vector<1xf32>
        %squeeze3A_438 = vector.extract %slice3A_437[0] : f32 from vector<1xf32>
        %get3A_439 = arith.index_cast %add3A_436 : i32 to index
        %get3A_440 = arith.constant 0 : index
        %get3A_441 = tpu.vector_load %arg10[%get3A_439, %get3A_440] {strides = array<i32>} : memref<400x32xf32, #tpu.memory_space<vmem>>, vector<1x16xf32>,
        %get3A_442 = vector.shape_cast %get3A_441 : vector<1x16xf32> to vector<16xf32>
        %mul3A_443 = vector.broadcast %squeeze3A_438 : f32 to vector<16xf32>
        %mul3A_444 = arith.mulf %get3A_442, %mul3A_443 : vector<16xf32>
        %swap3A_445 = arith.index_cast %add3A_436 : i32 to index
        %swap3A_446 = arith.constant 0 : index
        %swap3A_447 = tpu.vector_load %arg10[%swap3A_445, %swap3A_446] {strides = array<i32>} : memref<400x32xf32, #tpu.memory_space<vmem>>, vector<1x16xf32>,
        %swap3A_448 = vector.shape_cast %swap3A_447 : vector<1x16xf32> to vector<16xf32>
        %swap3A_449 = vector.shape_cast %mul3A_444 : vector<16xf32> to vector<1x16xf32>
        tpu.vector_store %arg10[%swap3A_445, %swap3A_446], %swap3A_449 {strides = array<i32>} : memref<400x32xf32, #tpu.memory_space<vmem>>, vector<1x16xf32>,
        %get3A_450 = arith.index_cast %add3A_436 : i32 to index
        %get3A_451 = arith.constant 16 : index
        %get3A_452 = tpu.vector_load %arg10[%get3A_450, %get3A_451] {strides = array<i32>} : memref<400x32xf32, #tpu.memory_space<vmem>>, vector<1x16xf32>,
        %get3A_453 = vector.shape_cast %get3A_452 : vector<1x16xf32> to vector<16xf32>
        %mul3A_454 = vector.broadcast %squeeze3A_438 : f32 to vector<16xf32>
        %mul3A_455 = arith.mulf %get3A_453, %mul3A_454 : vector<16xf32>
        %swap3A_456 = arith.index_cast %add3A_436 : i32 to index
        %swap3A_457 = arith.constant 16 : index
        %swap3A_458 = tpu.vector_load %arg10[%swap3A_456, %swap3A_457] {strides = array<i32>} : memref<400x32xf32, #tpu.memory_space<vmem>>, vector<1x16xf32>,
        %swap3A_459 = vector.shape_cast %swap3A_458 : vector<1x16xf32> to vector<16xf32>
        %swap3A_460 = vector.shape_cast %mul3A_455 : vector<16xf32> to vector<1x16xf32>
        tpu.vector_store %arg10[%swap3A_456, %swap3A_457], %swap3A_460 {strides = array<i32>} : memref<400x32xf32, #tpu.memory_space<vmem>>, vector<1x16xf32>,
        %mul3A_461 = arith.constant 16 : i32
        %mul3A_462 = arith.muli %scan3A_67, %mul3A_461 : i32
        %add3A_463 = arith.constant 14 : i32
        %add3A_464 = arith.addi %mul3A_462, %add3A_463 : i32
        %slice3A_465 = vector.extract_strided_slice %get3A_71 {offsets = [14], sizes = [1], strides = [1]} : vector<16xf32> to vector<1xf32>
        %squeeze3A_466 = vector.extract %slice3A_465[0] : f32 from vector<1xf32>
        %get3A_467 = arith.index_cast %add3A_464 : i32 to index
        %get3A_468 = arith.constant 0 : index
        %get3A_469 = tpu.vector_load %arg10[%get3A_467, %get3A_468] {strides = array<i32>} : memref<400x32xf32, #tpu.memory_space<vmem>>, vector<1x16xf32>,
        %get3A_470 = vector.shape_cast %get3A_469 : vector<1x16xf32> to vector<16xf32>
        %mul3A_471 = vector.broadcast %squeeze3A_466 : f32 to vector<16xf32>
        %mul3A_472 = arith.mulf %get3A_470, %mul3A_471 : vector<16xf32>
        %swap3A_473 = arith.index_cast %add3A_464 : i32 to index
        %swap3A_474 = arith.constant 0 : index
        %swap3A_475 = tpu.vector_load %arg10[%swap3A_473, %swap3A_474] {strides = array<i32>} : memref<400x32xf32, #tpu.memory_space<vmem>>, vector<1x16xf32>,
        %swap3A_476 = vector.shape_cast %swap3A_475 : vector<1x16xf32> to vector<16xf32>
        %swap3A_477 = vector.shape_cast %mul3A_472 : vector<16xf32> to vector<1x16xf32>
        tpu.vector_store %arg10[%swap3A_473, %swap3A_474], %swap3A_477 {strides = array<i32>} : memref<400x32xf32, #tpu.memory_space<vmem>>, vector<1x16xf32>,
        %get3A_478 = arith.index_cast %add3A_464 : i32 to index
        %get3A_479 = arith.constant 16 : index
        %get3A_480 = tpu.vector_load %arg10[%get3A_478, %get3A_479] {strides = array<i32>} : memref<400x32xf32, #tpu.memory_space<vmem>>, vector<1x16xf32>,
        %get3A_481 = vector.shape_cast %get3A_480 : vector<1x16xf32> to vector<16xf32>
        %mul3A_482 = vector.broadcast %squeeze3A_466 : f32 to vector<16xf32>
        %mul3A_483 = arith.mulf %get3A_481, %mul3A_482 : vector<16xf32>
        %swap3A_484 = arith.index_cast %add3A_464 : i32 to index
        %swap3A_485 = arith.constant 16 : index
        %swap3A_486 = tpu.vector_load %arg10[%swap3A_484, %swap3A_485] {strides = array<i32>} : memref<400x32xf32, #tpu.memory_space<vmem>>, vector<1x16xf32>,
        %swap3A_487 = vector.shape_cast %swap3A_486 : vector<1x16xf32> to vector<16xf32>
        %swap3A_488 = vector.shape_cast %mul3A_483 : vector<16xf32> to vector<1x16xf32>
        tpu.vector_store %arg10[%swap3A_484, %swap3A_485], %swap3A_488 {strides = array<i32>} : memref<400x32xf32, #tpu.memory_space<vmem>>, vector<1x16xf32>,
        %mul3A_489 = arith.constant 16 : i32
        %mul3A_490 = arith.muli %scan3A_67, %mul3A_489 : i32
        %add3A_491 = arith.constant 15 : i32
        %add3A_492 = arith.addi %mul3A_490, %add3A_491 : i32
        %slice3A_493 = vector.extract_strided_slice %get3A_71 {offsets = [15], sizes = [1], strides = [1]} : vector<16xf32> to vector<1xf32>
        %squeeze3A_494 = vector.extract %slice3A_493[0] : f32 from vector<1xf32>
        %get3A_495 = arith.index_cast %add3A_492 : i32 to index
        %get3A_496 = arith.constant 0 : index
        %get3A_497 = tpu.vector_load %arg10[%get3A_495, %get3A_496] {strides = array<i32>} : memref<400x32xf32, #tpu.memory_space<vmem>>, vector<1x16xf32>,
        %get3A_498 = vector.shape_cast %get3A_497 : vector<1x16xf32> to vector<16xf32>
        %mul3A_499 = vector.broadcast %squeeze3A_494 : f32 to vector<16xf32>
        %mul3A_500 = arith.mulf %get3A_498, %mul3A_499 : vector<16xf32>
        %swap3A_501 = arith.index_cast %add3A_492 : i32 to index
        %swap3A_502 = arith.constant 0 : index
        %swap3A_503 = tpu.vector_load %arg10[%swap3A_501, %swap3A_502] {strides = array<i32>} : memref<400x32xf32, #tpu.memory_space<vmem>>, vector<1x16xf32>,
        %swap3A_504 = vector.shape_cast %swap3A_503 : vector<1x16xf32> to vector<16xf32>
        %swap3A_505 = vector.shape_cast %mul3A_500 : vector<16xf32> to vector<1x16xf32>
        tpu.vector_store %arg10[%swap3A_501, %swap3A_502], %swap3A_505 {strides = array<i32>} : memref<400x32xf32, #tpu.memory_space<vmem>>, vector<1x16xf32>,
        %get3A_506 = arith.index_cast %add3A_492 : i32 to index
        %get3A_507 = arith.constant 16 : index
        %get3A_508 = tpu.vector_load %arg10[%get3A_506, %get3A_507] {strides = array<i32>} : memref<400x32xf32, #tpu.memory_space<vmem>>, vector<1x16xf32>,
        %get3A_509 = vector.shape_cast %get3A_508 : vector<1x16xf32> to vector<16xf32>
        %mul3A_510 = vector.broadcast %squeeze3A_494 : f32 to vector<16xf32>
        %mul3A_511 = arith.mulf %get3A_509, %mul3A_510 : vector<16xf32>
        %swap3A_512 = arith.index_cast %add3A_492 : i32 to index
        %swap3A_513 = arith.constant 16 : index
        %swap3A_514 = tpu.vector_load %arg10[%swap3A_512, %swap3A_513] {strides = array<i32>} : memref<400x32xf32, #tpu.memory_space<vmem>>, vector<1x16xf32>,
        %swap3A_515 = vector.shape_cast %swap3A_514 : vector<1x16xf32> to vector<16xf32>
        %swap3A_516 = vector.shape_cast %mul3A_511 : vector<16xf32> to vector<1x16xf32>
        tpu.vector_store %arg10[%swap3A_512, %swap3A_513], %swap3A_516 {strides = array<i32>} : memref<400x32xf32, #tpu.memory_space<vmem>>, vector<1x16xf32>,
      }
      %scan3A_66 = arith.constant 25 : i32
      "tpu.region"() ({
        %run_scoped3A = tpu.sem_alloc : memref<!tpu.dma_semaphore, #tpu.memory_space<semaphore_mem>>
        %dma_start3A_67 = arith.constant 0 : i32
        %dma_start3A_68 = arith.constant 0 : i32
        %dma_start3A_69 = tpu.memref_slice %arg11[%dma_start3A_67, %dma_start3A_68] : memref<50000x32xf32, #tpu.memory_space<vmem_shared>> -> memref<50000x32xf32, #tpu.memory_space<vmem_shared>>
        tpu.enqueue_indirect_dma source(%arg10 : memref<400x32xf32, #tpu.memory_space<vmem>>) target(%dma_start3A_69 : memref<50000x32xf32, #tpu.memory_space<vmem_shared>>) offsets(%arg8 : memref<400xi32, #tpu.memory_space<vmem>>) semaphore(%run_scoped3A : memref<!tpu.dma_semaphore, #tpu.memory_space<semaphore_mem>>) {add = true}
        %dma_wait3A_70 = arith.constant 0 : i32
        %dma_wait3A_71 = arith.constant 0 : i32
        %dma_wait3A_72 = tpu.memref_slice %arg11[%dma_wait3A_70, %dma_wait3A_71] : memref<50000x32xf32, #tpu.memory_space<vmem_shared>> -> memref<50000x32xf32, #tpu.memory_space<vmem_shared>>
        tpu.wait_indirect_dma semaphore(%run_scoped3A : memref<!tpu.dma_semaphore, #tpu.memory_space<semaphore_mem>>) src(%arg10 : memref<400x32xf32, #tpu.memory_space<vmem>>) dst(%dma_wait3A_72 : memref<50000x32xf32, #tpu.memory_space<vmem_shared>>)
        tpu.yield
      }) : () -> ()
    }
    %scan3A_41 = arith.constant 125 : i32
    %barrier3A_42 = arith.constant 0 : index
    tpu.barrier barrier_id(%barrier3A_42)
    %eq3A = arith.constant 0 : i32
    %eq3A_43 = arith.cmpi eq, %arg1, %eq3A : i32
    %convert_element_type3A = arith.extui %eq3A_43 : i1 to i32
    %cond3A = arith.constant 0 : i32
    %cond3A_44 = arith.cmpi ne, %convert_element_type3A, %cond3A : i32
    scf.if %cond3A_44 {
      "tpu.region"() ({
        %run_scoped3A = tpu.sem_alloc : memref<!tpu.dma_semaphore, #tpu.memory_space<semaphore_mem>>
        %dma_start3A = arith.constant 0 : i32
        %dma_start3A_45 = arith.constant 0 : i32
        %dma_start3A_46 = tpu.memref_slice %arg6[%arg0, %dma_start3A, %dma_start3A_45] : memref<2x50000x32xf32, #tpu.memory_space<hbm>> -> memref<1x50000x32xf32, #tpu.memory_space<hbm>>
        %dma_start3A_47 = tpu.memref_squeeze %dma_start3A_46 : memref<1x50000x32xf32, #tpu.memory_space<hbm>> -> memref<50000x32xf32, #tpu.memory_space<hbm>>
        tpu.enqueue_dma source(%arg11 : memref<50000x32xf32, #tpu.memory_space<vmem_shared>>) target(%dma_start3A_47 : memref<50000x32xf32, #tpu.memory_space<hbm>>) target_semaphore(%run_scoped3A : memref<!tpu.dma_semaphore, #tpu.memory_space<semaphore_mem>>)
        %dma_wait3A = arith.constant 0 : i32
        %dma_wait3A_48 = arith.constant 0 : i32
        %dma_wait3A_49 = tpu.memref_slice %arg6[%arg0, %dma_wait3A, %dma_wait3A_48] : memref<2x50000x32xf32, #tpu.memory_space<hbm>> -> memref<1x50000x32xf32, #tpu.memory_space<hbm>>
        %dma_wait3A_50 = tpu.memref_squeeze %dma_wait3A_49 : memref<1x50000x32xf32, #tpu.memory_space<hbm>> -> memref<50000x32xf32, #tpu.memory_space<hbm>>
        tpu.wait_dma2 semaphore(%run_scoped3A : memref<!tpu.dma_semaphore, #tpu.memory_space<semaphore_mem>>) src(%arg11 : memref<50000x32xf32, #tpu.memory_space<vmem_shared>>) dst(%dma_wait3A_50 : memref<50000x32xf32, #tpu.memory_space<hbm>>)
        tpu.yield
      }) : () -> ()
    } else {
    }
    return
  }
}

module attributes {stable_mosaic.version = 14 : i64} {
  func.func @_tc_tail_body(%arg0: i32, %arg1: memref<2x1000x32xf32, #tpu.memory_space<vmem>>, %arg2: memref<1000x64xf32, #tpu.memory_space<vmem>>, %arg3: memref<64x64xf32, #tpu.memory_space<vmem>>, %arg4: memref<1x64xf32, #tpu.memory_space<vmem>>, %arg5: memref<64x64xf32, #tpu.memory_space<vmem>>, %arg6: memref<1x64xf32, #tpu.memory_space<vmem>>, %arg7: memref<128x2xf32, #tpu.memory_space<vmem>>, %arg8: memref<128x2xf32, #tpu.memory_space<vmem>>, %arg9: memref<1000x64xf32, #tpu.memory_space<vmem>>) attributes {dimension_semantics = [#tpu.dimension_semantics<arbitrary>], iteration_bounds = array<i64: 50>, scalar_prefetch = 0 : i64, scratch_operands = 0 : i64, tpu.core_type = #tpu.core_type<tc>, window_params = [{transform_indices = @transform_0, window_bounds = array<i64: 2, 1000, 32>}, {transform_indices = @transform_1, window_bounds = array<i64: 1000, 64>}, {pipeline_mode = #tpu.pipeline_mode<synchronous>, transform_indices = @transform_2, window_bounds = array<i64: 64, 64>}, {pipeline_mode = #tpu.pipeline_mode<synchronous>, transform_indices = @transform_3, window_bounds = array<i64: 1, 64>}, {pipeline_mode = #tpu.pipeline_mode<synchronous>, transform_indices = @transform_4, window_bounds = array<i64: 64, 64>}, {pipeline_mode = #tpu.pipeline_mode<synchronous>, transform_indices = @transform_5, window_bounds = array<i64: 1, 64>}, {pipeline_mode = #tpu.pipeline_mode<synchronous>, transform_indices = @transform_6, window_bounds = array<i64: 128, 2>}, {pipeline_mode = #tpu.pipeline_mode<synchronous>, transform_indices = @transform_7, window_bounds = array<i64: 128, 2>}, {transform_indices = @transform_8, window_bounds = array<i64: 1000, 64>}]} {
    %get3A = arith.constant 0 : index
    %get3A_0 = arith.constant 0 : index
    %get3A_1 = arith.constant 0 : index
    %get3A_2 = vector.load %arg1[%get3A, %get3A_0, %get3A_1] : memref<2x1000x32xf32, #tpu.memory_space<vmem>>, vector<1x1000x32xf32>
    %get3A_3 = vector.shape_cast %get3A_2 : vector<1x1000x32xf32> to vector<1000x32xf32>
    %get3A_4 = arith.constant 1 : index
    %get3A_5 = arith.constant 0 : index
    %get3A_6 = arith.constant 0 : index
    %get3A_7 = vector.load %arg1[%get3A_4, %get3A_5, %get3A_6] : memref<2x1000x32xf32, #tpu.memory_space<vmem>>, vector<1x1000x32xf32>
    %get3A_8 = vector.shape_cast %get3A_7 : vector<1x1000x32xf32> to vector<1000x32xf32>
    %concatenate3A = tpu.concatenate %get3A_3, %get3A_8 in 1 : vector<1000x32xf32>, vector<1000x32xf32> -> vector<1000x64xf32>
    %get3A_9 = arith.constant 0 : index
    %get3A_10 = arith.constant 0 : index
    %get3A_11 = vector.load %arg2[%get3A_9, %get3A_10] : memref<1000x64xf32, #tpu.memory_space<vmem>>, vector<1000x64xf32>
    %get3A_12 = arith.constant 0 : index
    %get3A_13 = arith.constant 0 : index
    %get3A_14 = vector.load %arg3[%get3A_12, %get3A_13] : memref<64x64xf32, #tpu.memory_space<vmem>>, vector<64x64xf32>
    %dot_general3A = arith.constant dense<0.000000e+00> : vector<1000x64xf32>
    %dot_general3A_15 = tpu.matmul %concatenate3A, %get3A_14, %dot_general3A {dimension_numbers = #tpu.dot_dimension_numbers<[1], [0], [0], [1], [0, 0, 1, 1], [], []>, transpose_lhs_hint = false} : vector<1000x64xf32>, vector<64x64xf32>, vector<1000x64xf32> -> vector<1000x64xf32>
    %get3A_16 = arith.constant 0 : index
    %get3A_17 = arith.constant 0 : index
    %get3A_18 = vector.load %arg4[%get3A_16, %get3A_17] : memref<1x64xf32, #tpu.memory_space<vmem>>, vector<1x64xf32>
    %add3A = vector.broadcast %get3A_18 : vector<1x64xf32> to vector<1000x64xf32>
    %add3A_19 = arith.addf %dot_general3A_15, %add3A : vector<1000x64xf32>
    %gt3A = arith.constant 0.000000e+00 : f32
    %gt3A_20 = vector.broadcast %gt3A : f32 to vector<1000x64xf32>
    %gt3A_21 = arith.cmpf ogt, %add3A_19, %gt3A_20 : vector<1000x64xf32>
    %mul3A = arith.constant 0.00999999977 : f32
    %mul3A_22 = vector.broadcast %mul3A : f32 to vector<1000x64xf32>
    %mul3A_23 = arith.mulf %mul3A_22, %add3A_19 : vector<1000x64xf32>
    %select_n3A = arith.select %gt3A_21, %add3A_19, %mul3A_23 : vector<1000x64xi1>, vector<1000x64xf32>
    %mul3A_24 = arith.mulf %get3A_11, %concatenate3A : vector<1000x64xf32>
    %get3A_25 = arith.constant 0 : index
    %get3A_26 = arith.constant 0 : index
    %get3A_27 = vector.load %arg5[%get3A_25, %get3A_26] : memref<64x64xf32, #tpu.memory_space<vmem>>, vector<64x64xf32>
    %dot_general3A_28 = arith.constant dense<0.000000e+00> : vector<1000x64xf32>
    %dot_general3A_29 = tpu.matmul %mul3A_24, %get3A_27, %dot_general3A_28 {dimension_numbers = #tpu.dot_dimension_numbers<[1], [0], [0], [1], [0, 0, 1, 1], [], []>, transpose_lhs_hint = false} : vector<1000x64xf32>, vector<64x64xf32>, vector<1000x64xf32> -> vector<1000x64xf32>
    %get3A_30 = arith.constant 0 : index
    %get3A_31 = arith.constant 0 : index
    %get3A_32 = vector.load %arg6[%get3A_30, %get3A_31] : memref<1x64xf32, #tpu.memory_space<vmem>>, vector<1x64xf32>
    %add3A_33 = vector.broadcast %get3A_32 : vector<1x64xf32> to vector<1000x64xf32>
    %add3A_34 = arith.addf %dot_general3A_29, %add3A_33 : vector<1000x64xf32>
    %gt3A_35 = arith.constant 0.000000e+00 : f32
    %gt3A_36 = vector.broadcast %gt3A_35 : f32 to vector<1000x64xf32>
    %gt3A_37 = arith.cmpf ogt, %add3A_34, %gt3A_36 : vector<1000x64xf32>
    %mul3A_38 = arith.constant 0.00999999977 : f32
    %mul3A_39 = vector.broadcast %mul3A_38 : f32 to vector<1000x64xf32>
    %mul3A_40 = arith.mulf %mul3A_39, %add3A_34 : vector<1000x64xf32>
    %select_n3A_41 = arith.select %gt3A_37, %add3A_34, %mul3A_40 : vector<1000x64xi1>, vector<1000x64xf32>
    %add3A_42 = arith.addf %select_n3A, %select_n3A_41 : vector<1000x64xf32>
    %mul3A_43 = arith.mulf %add3A_42, %add3A_42 : vector<1000x64xf32>
    %reduce_sum3A = arith.constant dense<0.000000e+00> : vector<1000xf32>
    %reduce_sum3A_44 = vector.multi_reduction <add>, %mul3A_43, %reduce_sum3A [1] : vector<1000x64xf32> to vector<1000xf32>
    %broadcast_in_dim3A = vector.shape_cast %reduce_sum3A_44 : vector<1000xf32> to vector<1000x1xf32>
    %sqrt3A = math.sqrt %broadcast_in_dim3A : vector<1000x1xf32>
    %max3A = arith.constant 9.99999996E-13 : f32
    %max3A_45 = vector.broadcast %max3A : f32 to vector<1000x1xf32>
    %max3A_46 = arith.maximumf %sqrt3A, %max3A_45 : vector<1000x1xf32>
    %div3A = vector.broadcast %max3A_46 : vector<1000x1xf32> to vector<1000x64xf32>
    %div3A_47 = arith.divf %add3A_42, %div3A : vector<1000x64xf32>
    %concatenate3A_48 = tpu.concatenate %get3A_11, %div3A_47 in 1 : vector<1000x64xf32>, vector<1000x64xf32> -> vector<1000x128xf32>
    %lt3A = arith.constant 25 : i32
    %lt3A_49 = arith.cmpi slt, %arg0, %lt3A : i32
    %get3A_50 = arith.constant 0 : index
    %get3A_51 = arith.constant 0 : index
    %get3A_52 = vector.load %arg7[%get3A_50, %get3A_51] : memref<128x2xf32, #tpu.memory_space<vmem>>, vector<128x2xf32>
    %get3A_53 = arith.constant 0 : index
    %get3A_54 = arith.constant 0 : index
    %get3A_55 = vector.load %arg8[%get3A_53, %get3A_54] : memref<128x2xf32, #tpu.memory_space<vmem>>, vector<128x2xf32>
    %select_n3A_56 = arith.select %lt3A_49, %get3A_52, %get3A_55 : vector<128x2xf32>
    %dot_general3A_57 = arith.constant dense<0.000000e+00> : vector<1000x2xf32>
    %dot_general3A_58 = tpu.matmul %concatenate3A_48, %select_n3A_56, %dot_general3A_57 {dimension_numbers = #tpu.dot_dimension_numbers<[1], [0], [0], [1], [0, 0, 1, 1], [], []>, transpose_lhs_hint = false} : vector<1000x128xf32>, vector<128x2xf32>, vector<1000x2xf32> -> vector<1000x2xf32>
    %reduce_max3A = arith.constant dense<0xFF800000> : vector<1000xf32>
    %reduce_max3A_59 = vector.multi_reduction <maximumf>, %dot_general3A_58, %reduce_max3A [1] : vector<1000x2xf32> to vector<1000xf32>
    %broadcast_in_dim3A_60 = vector.shape_cast %reduce_max3A_59 : vector<1000xf32> to vector<1000x1xf32>
    %sub3A = vector.broadcast %broadcast_in_dim3A_60 : vector<1000x1xf32> to vector<1000x2xf32>
    %sub3A_61 = arith.subf %dot_general3A_58, %sub3A : vector<1000x2xf32>
    %exp3A = math.exp %sub3A_61 : vector<1000x2xf32>
    %reduce_sum3A_62 = arith.constant dense<0.000000e+00> : vector<1000xf32>
    %reduce_sum3A_63 = vector.multi_reduction <add>, %exp3A, %reduce_sum3A_62 [1] : vector<1000x2xf32> to vector<1000xf32>
    %broadcast_in_dim3A_64 = vector.shape_cast %reduce_sum3A_63 : vector<1000xf32> to vector<1000x1xf32>
    %div3A_65 = vector.broadcast %broadcast_in_dim3A_64 : vector<1000x1xf32> to vector<1000x2xf32>
    %div3A_66 = arith.divf %exp3A, %div3A_65 : vector<1000x2xf32>
    %slice3A = vector.extract_strided_slice %div3A_66 {offsets = [0, 0], sizes = [1000, 1], strides = [1, 1]} : vector<1000x2xf32> to vector<1000x1xf32>
    %mul3A_67 = vector.broadcast %slice3A : vector<1000x1xf32> to vector<1000x64xf32>
    %mul3A_68 = arith.mulf %get3A_11, %mul3A_67 : vector<1000x64xf32>
    %slice3A_69 = vector.extract_strided_slice %div3A_66 {offsets = [0, 1], sizes = [1000, 1], strides = [1, 1]} : vector<1000x2xf32> to vector<1000x1xf32>
    %mul3A_70 = vector.broadcast %slice3A_69 : vector<1000x1xf32> to vector<1000x64xf32>
    %mul3A_71 = arith.mulf %div3A_47, %mul3A_70 : vector<1000x64xf32>
    %add3A_72 = arith.addf %mul3A_68, %mul3A_71 : vector<1000x64xf32>
    %swap3A = arith.constant 0 : index
    %swap3A_73 = arith.constant 0 : index
    %swap3A_74 = vector.load %arg9[%swap3A, %swap3A_73] : memref<1000x64xf32, #tpu.memory_space<vmem>>, vector<1000x64xf32>
    tpu.vector_store %arg9[%swap3A, %swap3A_73], %add3A_72 {strides = array<i32>} : memref<1000x64xf32, #tpu.memory_space<vmem>>, vector<1000x64xf32>,
    return
  }
  func.func @transform_0(%arg0: i32) -> (i32, i32, i32) {
    %c0_i32 = arith.constant 0 : i32
    %c0_i32_0 = arith.constant 0 : i32
    %c0_i32_1 = arith.constant 0 : i32
    return %c0_i32, %arg0, %c0_i32_0 : i32, i32, i32
  }
  func.func @transform_1(%arg0: i32) -> (i32, i32) {
    %c0_i32 = arith.constant 0 : i32
    %c0_i32_0 = arith.constant 0 : i32
    return %arg0, %c0_i32 : i32, i32
  }
  func.func @transform_2(%arg0: i32) -> (i32, i32) {
    %c0_i32 = arith.constant 0 : i32
    %c0_i32_0 = arith.constant 0 : i32
    %c0_i32_1 = arith.constant 0 : i32
    return %c0_i32, %c0_i32_0 : i32, i32
  }
  func.func @transform_3(%arg0: i32) -> (i32, i32) {
    %c0_i32 = arith.constant 0 : i32
    %c0_i32_0 = arith.constant 0 : i32
    %c0_i32_1 = arith.constant 0 : i32
    return %c0_i32, %c0_i32_0 : i32, i32
  }
  func.func @transform_4(%arg0: i32) -> (i32, i32) {
    %c0_i32 = arith.constant 0 : i32
    %c0_i32_0 = arith.constant 0 : i32
    %c0_i32_1 = arith.constant 0 : i32
    return %c0_i32, %c0_i32_0 : i32, i32
  }
  func.func @transform_5(%arg0: i32) -> (i32, i32) {
    %c0_i32 = arith.constant 0 : i32
    %c0_i32_0 = arith.constant 0 : i32
    %c0_i32_1 = arith.constant 0 : i32
    return %c0_i32, %c0_i32_0 : i32, i32
  }
  func.func @transform_6(%arg0: i32) -> (i32, i32) {
    %c0_i32 = arith.constant 0 : i32
    %c0_i32_0 = arith.constant 0 : i32
    %c0_i32_1 = arith.constant 0 : i32
    return %c0_i32, %c0_i32_0 : i32, i32
  }
  func.func @transform_7(%arg0: i32) -> (i32, i32) {
    %c0_i32 = arith.constant 0 : i32
    %c0_i32_0 = arith.constant 0 : i32
    %c0_i32_1 = arith.constant 0 : i32
    return %c0_i32, %c0_i32_0 : i32, i32
  }
  func.func @transform_8(%arg0: i32) -> (i32, i32) {
    %c0_i32 = arith.constant 0 : i32
    %c0_i32_0 = arith.constant 0 : i32
    return %arg0, %c0_i32 : i32, i32
  }
}

</mosaic_0001>

<sc_bundles>
// kernel: kernel.4.cloned.1.call-start
scs
__scs_entry_jumppad:
0x0: {  	(pc) =	sbr.rel $0x88, $3  }
0x1: {  	(tag) =	ssettag $0x0;
	lr =	simm.s32 $0x1  }
0x2: {  	[smem:$0x3F96] =	sst lr;
	_ =	strace $0xD0000000  }
0x3: {  	_ = 	snop  }
0x4: {  	_ = 	snop  }
0x5: {  	_ = 	snop  }
0x6: {  	_ = 	snop  }
0x7: {  	_ = 	snop  }
__scs_overlays_trampoline_lowered:
0x8: {  	[smem:$0x3FA5] =	sst s0  }
0x9: {  	[smem:$0x3FA6] =	sst s1  }
0xa: {  	[smem:$0x3FA7] =	sst s2  }
0xb: {  	[smem:$0x3FA8] =	sst s3  }
0xc: {  	[smem:$0x3FA9] =	sst s4  }
0xd: {  	[smem:$0x3FAA] =	sst s5  }
0xe: {  	[smem:$0x3FAB] =	sst s6  }
0xf: {  	[smem:$0x3FAC] =	sst s7  }
0x10: {  	[smem:$0x3FAD] =	sst s8  }
0x11: {  	[smem:$0x3FAE] =	sst s9;
	s0 =	simm.s32 @!p0 $0x0  }
0x12: {  	s1 =	sld [smem:$0x3F94];
	s0 =	simm.s32 @p0 $0x1  }
0x13: {  	[smem:$0x3FAF] =	sst s0;
	s0 =	simm.s32 @!p1 $0x0  }
0x14: {  	s2 =	sld [smem:$0x3F93];
	s0 =	simm.s32 @p1 $0x1  }
0x15: {  	[smem:$0x3FB0] =	sst s0;
	s0 =	simm.s32 @!p2 $0x0  }
0x16: {  	s3 =	sld [smem:$0x3FDB];
	s0 =	simm.s32 @p2 $0x1  }
0x17: {  	s4 =	simm.s32 $0x1BF5;
	[smem:$0x3FB2] =	sst s0  }
0x18: {  	s0 =	sld [smem:$0x3F95];
	_ =	swait.ge [sflag:s4], $0x0  }
0x19: {  	s7 =	sld [smem:$0x3F96]  }
0x1a: {  	s8 =	sadd.s32 $0xFFFFE003, lr  }
0x1b: {  	s9 =	sadd.s32 $0xFFFFFEF7, lr;
	s5 =	simm.s32 $0xFFFFFFFF;
	p2 =	slt.u32 s8, $0xFFFFF086  }
0x1c: {  	p1 =	slt.u32 s9, $0xF7A;
	s5 =	simm.s32 @!p2 $0x0  }
0x1d: {  	s5 =	simm.s32 @p1 $0x1;
	p0 =	seq.s32 s7, s2  }
0x1e: {  	s7 =	smul.u32 @!p0 $0xF7A, s2;
	p2 =	seq.s32 @!p0 s5, $0x0  }
0x1f: {  	s9 =	smul.u32 $0xF7A, s1;
	s8 =	simm.s32 @!p0 $0x1BF5;
	p2 =	por !p2, p0  }
0x20: {  	[sflag:s8] =	ssyncset.s32 @!p0 $0xFFFFF086;
	s6 =	sadd.s32 @!p0 s3, s7;
	s7 =	simm.s32 @!p0 $0x108  }
0x21: {  	s3 =	sadd.s32 s3, s9;
	s6 =	sadd.s32 @!p0 $0x88, s6;
	s7 =	simm.s32 @p2 $0x1082  }
0x22: {  	[simem:s7], [sflag:s8] =	dma.local @!p0 [hbm:s6], $0xF7A  }
0x23: {  	s9 =	sor.u32 $0xD0000000, s2;
	s6 =	simm.s32 $0x108;
	_ =	swait.ge @!p0 [sflag:s8], $0x0  }
0x24: {  	s3 =	sadd.s32 $0x88, s3;
	s6 =	simm.s32 @!p1 $0x1082;
	[sflag:s4] =	ssyncset.s32 $0xFFFFF086  }
0x25: {  	[simem:s6], [sflag:s4] =	dma.local [hbm:s3], $0xF7A  }
0x26: {  	[smem:$0x3F96] =	sst s1;
	(tag) =	ssettag s2;
	_ =	strace s9  }
0x27: {  	s1 =	sld [smem:$0x3FA6]  }
0x28: {  	s2 =	sld [smem:$0x3FA7]  }
0x29: {  	s4 =	sld [smem:$0x3FA9]  }
0x2a: {  	p0 =	seq.s32 s5, $0x0;
	s5 =	sld [smem:$0x3FAA]  }
0x2b: {  	s6 =	sld [smem:$0x3FAB]  }
0x2c: {  	s7 =	sld [smem:$0x3FAC]  }
0x2d: {  	s3 =	simm.s32 $0x108;
	s8 =	sld [smem:$0x3FAD]  }
0x2e: {  	s3 =	simm.s32 @!p0 $0x1082;
	s9 =	sld [smem:$0x3FAE]  }
0x2f: {  	lr =	sadd.s32 s0, s3;
	s0 =	sld [smem:$0x3FA5]  }
0x30: {  	s3 =	sld [smem:$0x3FA8]  }
0x31: {  	[smem:$0x3FB1] =	sst s10  }
0x32: {  	s10 =	sld [smem:$0x3FAF];
	_ =	sdelay $0x3  }
0x33: {  	p0 =	seq.s32 s10, $0x1;
	s10 =	sld [smem:$0x3FB1];
	_ =	sdelay $0x3  }
0x34: {  	[smem:$0x3FB1] =	sst s10  }
0x35: {  	s10 =	sld [smem:$0x3FB0];
	_ =	sdelay $0x3  }
0x36: {  	p1 =	seq.s32 s10, $0x1;
	s10 =	sld [smem:$0x3FB1];
	_ =	sdelay $0x3  }
0x37: {  	[smem:$0x3FB1] =	sst s10  }
0x38: {  	s10 =	sld [smem:$0x3FB2]  }
0x39: {  	_ = 	snop;
	(pc) =	sbr.ind lr, $3  }
0x3a: {  	_ = 	snop  }
0x3b: {  	_ = 	snop  }
0x3c: {  	p2 =	seq.s32 s10, $0x1;
	s10 =	sld [smem:$0x3FB1]  }
0x3d: {  	_ =	shalt  }
0x3e: {  	_ =	shalt  }
0x3f: {  	_ =	shalt  }
0x40: {  	_ =	shalt  }
0x41: {  	_ =	shalt  }
0x42: {  	_ =	shalt  }
0x43: {  	_ =	shalt  }
0x44: {  	_ =	shalt  }
0x45: {  	_ =	shalt  }
0x46: {  	_ =	shalt  }
0x47: {  	_ =	shalt  }
0x48: {  	_ =	shalt  }
0x49: {  	_ =	shalt  }
0x4a: {  	_ =	shalt  }
0x4b: {  	_ =	shalt  }
0x4c: {  	_ =	shalt  }
0x4d: {  	_ =	shalt  }
0x4e: {  	_ =	shalt  }
0x4f: {  	_ =	shalt  }
0x50: {  	_ =	shalt  }
0x51: {  	_ =	shalt  }
0x52: {  	_ =	shalt  }
0x53: {  	_ =	shalt  }
0x54: {  	_ =	shalt  }
0x55: {  	_ =	shalt  }
0x56: {  	_ =	shalt  }
0x57: {  	_ =	shalt  }
0x58: {  	_ =	shalt  }
0x59: {  	_ =	shalt  }
0x5a: {  	_ =	shalt  }
0x5b: {  	_ =	shalt  }
0x5c: {  	_ =	shalt  }
0x5d: {  	_ =	shalt  }
0x5e: {  	_ =	shalt  }
0x5f: {  	_ =	shalt  }
0x60: {  	_ =	shalt  }
0x61: {  	_ =	shalt  }
0x62: {  	_ =	shalt  }
0x63: {  	_ =	shalt  }
0x64: {  	_ =	shalt  }
0x65: {  	_ =	shalt  }
0x66: {  	_ =	shalt  }
0x67: {  	_ =	shalt  }
0x68: {  	_ =	shalt  }
0x69: {  	_ =	shalt  }
0x6a: {  	_ =	shalt  }
0x6b: {  	_ =	shalt  }
0x6c: {  	_ =	shalt  }
0x6d: {  	_ =	shalt  }
0x6e: {  	_ =	shalt  }
0x6f: {  	_ =	shalt  }
0x70: {  	_ =	shalt  }
0x71: {  	_ =	shalt  }
0x72: {  	_ =	shalt  }
0x73: {  	_ =	shalt  }
0x74: {  	_ =	shalt  }
0x75: {  	_ =	shalt  }
0x76: {  	_ =	shalt  }
0x77: {  	_ =	shalt  }
0x78: {  	_ =	shalt  }
0x79: {  	_ =	shalt  }
0x7a: {  	_ =	shalt  }
0x7b: {  	_ =	shalt  }
0x7c: {  	_ =	shalt  }
0x7d: {  	_ =	shalt  }
0x7e: {  	_ =	shalt  }
0x7f: {  	_ =	shalt  }
0x80: {  	_ =	shalt  }
0x81: {  	_ =	shalt  }
0x82: {  	_ =	shalt  }
0x83: {  	_ =	shalt  }
0x84: {  	_ =	shalt  }
0x85: {  	_ =	shalt  }
0x86: {  	_ =	shalt  }
0x87: {  	_ =	shalt  }
.Lfunc_end0:
.L_simem_size_0:
called_computation_lowered:
.L_overlay_start_0:
0x88: {  	s2 =	sld [smem:$0x3FD9]  }
0x89: {  	s3 =	sld [smem:$0x3FFE];
	_ =	sdelay $0x1  }
0x8a: {  	s1 =	srdreg.scid  }
0x8b: {  	s0 =	sand.u32 $0x1, s1  }
0x8c: {  	s17 =	sshll.u32 s0, $0xA;
	s2 =	sadd.s32 s3, s2  }
0x8d: {  	s2 =	sadd.s32 s2, s17  }
0x8e: {  	[smem:$0x3FBD] =	sst s2  }
0x8f: {  	_ = 	snop  }
0x90: {  	s2 =	sld [smem:$0x3FC7]  }
0x91: {  	s18 =	sld [smem:$0x3FC6]  }
0x92: {  	s4 =	sld [smem:$0x3FC5];
	(tm) =	ssettm $0x1  }
0x93: {  	s5 =	sld [smem:$0x3FFB];
	_ =	sdelay $0x3  }
0x94: {  	_ =	strace s5  }
0x95: {  	s5 =	sld [smem:$0x3FFC];
	_ =	sdelay $0x3  }
0x96: {  	_ =	strace s5  }
0x97: {  	s5 =	sld [smem:$0x3FFD];
	_ =	sdelay $0x3  }
0x98: {  	_ =	strace s5  }
0x99: {  	_ =	strace $0x8FFFFFFF  }
0x9a: {  	s19 =	sld [smem:$0x3FDB];
	_ =	sdelay $0x1  }
0x9b: {  	s6 =	simm.s32 $_scs_section_size  }
0x9c: {  	s7 =	simm.s32 $_size__tile_overlayer_lowered;
	s8 =	simm.s32 $_tile_overlayer_lowered  }
0x9d: {  	s22 =	simm.s32 $0x1BFF;
	s21 =	sshll.u32 s8, $0x1;
	s5 =	sadd.s32 s6, s19  }
0x9e: {  	s9 =	simm.s32 $0x0;
	s20 =	sshll.u32 s7, $0x1;
	s7 =	sadd.s32 s21, s5  }
0x9f: {  	[timem:s9], [sflag:s22] =	dma.local [hbm:s7], s20  }
0xa0: {  	_ =	swait.ge [sflag:s22], s20  }
0xa1: {  	s6 =	ssub.s32 $0x0, s20;
	[sflag:s22] =	ssyncset.done $0x0  }
0xa2: {  	[sflag:s22] =	ssyncadd.s32 s6;
	_ =	sdelay $0x1  }
0xa3: {  	s23 =	simm.s32 $0x1B8B  }
0xa4: {  	_ =	swait.ge [sflag:s23], $0x1  }
0xa5: {  	[sflag:s23] =	ssyncset.done $0x0  }
0xa6: {  	s25 =	simm.s32 $0x1B8E;
	s24 =	sld [smem:$0x3FFE];
	[sflag:s23] =	ssyncadd.s32 $0xFFFFFFFF  }
0xa7: {  	s26 =	simm.s32 $execute0_lowered;
	[smem:$0x3FD2] =	sst s25  }
0xa8: {  	s7 =	sshll.u32 s26, $0x1;
	_ =	strace $0x80000046;
	[dreg:$0x1] =	wrdreg $0xFFFFFFFF  }
0xa9: {  	s28 =	simm.s32 $_size_execute0_lowered;
	s5 =	sadd.s32 s5, s7;
	[dreg:$0x0] =	wrdreg $0x0  }
0xaa: {  	s7 =	sshll.u32 s28, $0x1;
	[dreg:$0x2] =	wrdreg s5  }
0xab: {  	[dreg:$0x3] =	wrdreg s7  }
0xac: {  	[dreg:$0x4] =	wrdreg $0xC0  }
0xad: {  	_ =	task [dreg:s9], $0x5FFFF  }
0xae: {  	[dreg:$0x1] =	wrdreg $0xFFFFFFFF  }
0xaf: {  	[dreg:$0x0] =	wrdreg $0x60  }
0xb0: {  	[dreg:$0x2] =	wrdreg s24  }
0xb1: {  	[dreg:$0x3] =	wrdreg s2  }
0xb2: {  	[dreg:$0x4] =	wrdreg s18  }
0xb3: {  	[dreg:$0x5] =	wrdreg s4  }
0xb4: {  	[dreg:$0x6] =	wrdreg $0x36B00  }
0xb5: {  	[dreg:$0x7] =	wrdreg $0x9  }
0xb6: {  	_ =	task.clear_ibuf [dreg:s9], $0x8FFFF;
	_ =	strace $0x90000046  }
0xb7: {  	s29 =	simm.s32 $0x9;
	_ =	strace $0x80000048  }
0xb8: {  	_ =	swait.ge [sflag:s29], $0x1  }
0xb9: {  	[sflag:s29] =	ssyncadd.s32 $0xFFFFFFFF  }
0xba: {  	_ =	strace $0x90000048  }
0xbb: {  	_ =	sfence  }
0xbc: {  	s30 =	sld [smem:$0x0];
	_ =	sdelay $0x2  }
0xbd: {  	s31 =	sshll.u32 s1, $0xD;
	s1 =	sshrl.u32 s1, $0x2  }
0xbe: {  	s3 =	sand.u32 $0x4000, s31;
	s1 =	sadd.s32 s1, s30  }
0xbf: {  	s0 =	sor.u32 s3, s0;
	s1 =	sshll.u32 s1, $0x11  }
0xc0: {  	s0 =	sor.u32 s1, s0  }
0xc1: {  	s0 =	sadd.s32 $0x8F2B, s0  }
0xc2: {  	[sflag:s0] =	ssyncadd.remote.s32 $0x1  }
0xc3: {  	_ =	sfence.sel $0xFFFF  }
0xc4: {  	[dreg:$0x0] =	wrdreg $0xFFFFFFFF;
	(pc) =	sbr.abs _section_cstart, $3  }
0xc5: {  	[dreg:$0x1] =	wrdreg $0xFFFFFFFF  }
0xc6: {  	_ =	task.clear_ibuf [dreg:s9], $0x2FFFF;
	_ =	strace $0x9FFFFFFF  }
0xc7: {  	(tm) =	ssettm $0x7FFFFFFF  }
tec
execute0_lowered:
.L_overlay_start_1:
0x0: {  	(tag) =	ssettag $0x1  }
0x1: {  	s7 =	rddreg [dreg:$0x0]  }
0x2: {  	s1 =	rddreg [dreg:$0x1]  }
0x3: {  	s2 =	rddreg [dreg:$0x2]  }
0x4: {  	s3 =	rddreg [dreg:$0x3]  }
0x5: {  	s4 =	rddreg [dreg:$0x4]  }
0x6: {  	s0 =	rddreg [dreg:$0x5];
	s5 =	simm.s32 $0x0;
	s6 =	srdreg.scid  }
0x7: {  	s23 =	stileid.u32;
	s18 =	simm.s32 $0x4B0;
	s19 =	simm.s32 $0x2  }
0x8: {  	s20 =	simm.s32 $0x190;
	s21 =	simm.s32 $0x320;
	[smem:$0x7FF] =	sst s5  }
0x9: {  	s22 =	sand.u32 $0x1, s6;
	s8 =	smul.u32 $0x61A80, s23;
	s6 =	sadd.s32 $0xC5200, s7  }
0xa: {  	s15 =	smul.u32 $0xC350, s23;
	p0 =	sne.s32 s23, $0x0;
	s23 =	simm.s32 $0x0  }
0xb: {  	_ =	strace $0x80000047;
	s9 =	smul.u32 $0x30D40, s22;
	s10 =	ssub.s32 $0x2, s22  }
0xc: {  	v0 =	vmov s22;
	s22 =	simm.s32 $0x1;
	s8 =	sshrl.u32 s8, $0x2;
	s31 =	sshrl.u32 s10, $0x1  }
0xd: {  	s16 =	sadd.s32 s9, s7;
	s7 =	sadd.s32 s8, s4;
	s17 =	ssub.s32 s10, s31  }
0xe: {  	s8 =	sadd.s32 $0x3200, s7;
	s9 =	sadd.s32 $0x6400, s7;
	s10 =	sadd.s32 $0x9600, s7  }
0xf: {  	s11 =	sadd.s32 $0xC800, s7;
	s12 =	sadd.s32 $0xFA00, s7;
	s13 =	sadd.s32 $0x12C00, s7  }
0x10: {  	v1 =	vimm.f32 $0.0e+00;
	s14 =	sadd.s32 $0x15E00, s7;
	s16 =	sadd.s32 $0x126E00, s16;
	s17 =	smax.u32 s17, $0x1  }
.LBB2_1:
0x11: {  	s24 =	sand.u32 $0xFF80, s5  }
0x12: {  	s25 =	sand.u32 $0x10, s5;
	s26 =	sshrl.u32 s24, $0x2  }
0x13: {  	s24 =	simm.s32 $0x40;
	s26 =	sor.u32 s25, s26;
	s25 =	simm.s32 $0x0  }
.LBB2_2:
0x14: {  	p1 =	sne.s32 s24, $0xC7C0  }
0x15: {  	[tilespmem:s26+$0x4B0] =	vst v1;
	s25 =	sadd.s32 $0x10, s25;
	s26 =	smov.u32 s24;
	s24 =	sadd.s32 $0x40, s24  }
.Ltmp0:
0x16: {  	(pc) =	sbr.rel @p1 .LBB2_2-.Ltmp0, $4  }
0x17: {  	_ = 	snop  }
0x18: {  	s26 =	sand.u32 $0xFF80, s26  }
0x19: {  	s28 =	sand.u32 $0x10, s25;
	s26 =	sshrl.u32 s26, $0x2  }
0x1a: {  	s26 =	sor.u32 s28, s26  }
0x1b: {  	[tilespmem:s26+$0x4B0] =	vst v1  }
0x1c: {  	[spmem:s7] =	stream.linear.scatter [tilespmem:s18], [sflag:$0x2], $0x3200, $0x38;
	[tilespmem:$0x1BD50] =	vst v63  }
0x1d: {  	_ =	swait.ge [sflag:s19], $0x3200  }
0x1e: {  	[sflag:s19] =	ssyncset.done $0x0  }
0x1f: {  	[sflag:s19] =	ssyncadd.s32 $0xFFFFCE00  }
0x20: {  	[spmem:s8] =	stream.linear.scatter [tilespmem:s18], [sflag:$0x2], $0x3200, $0x38;
	[tilespmem:$0x1BD50] =	vst v63  }
0x21: {  	_ =	swait.ge [sflag:s19], $0x3200  }
0x22: {  	[sflag:s19] =	ssyncset.done $0x0  }
0x23: {  	[sflag:s19] =	ssyncadd.s32 $0xFFFFCE00  }
0x24: {  	[spmem:s9] =	stream.linear.scatter [tilespmem:s18], [sflag:$0x2], $0x3200, $0x38;
	[tilespmem:$0x1BD50] =	vst v63  }
0x25: {  	_ =	swait.ge [sflag:s19], $0x3200  }
0x26: {  	[sflag:s19] =	ssyncset.done $0x0  }
0x27: {  	[sflag:s19] =	ssyncadd.s32 $0xFFFFCE00  }
0x28: {  	[spmem:s10] =	stream.linear.scatter [tilespmem:s18], [sflag:$0x2], $0x3200, $0x38;
	[tilespmem:$0x1BD50] =	vst v63  }
0x29: {  	_ =	swait.ge [sflag:s19], $0x3200  }
0x2a: {  	[sflag:s19] =	ssyncset.done $0x0  }
0x2b: {  	[sflag:s19] =	ssyncadd.s32 $0xFFFFCE00  }
0x2c: {  	[spmem:s11] =	stream.linear.scatter [tilespmem:s18], [sflag:$0x2], $0x3200, $0x38;
	[tilespmem:$0x1BD50] =	vst v63  }
0x2d: {  	_ =	swait.ge [sflag:s19], $0x3200  }
0x2e: {  	[sflag:s19] =	ssyncset.done $0x0  }
0x2f: {  	[sflag:s19] =	ssyncadd.s32 $0xFFFFCE00  }
0x30: {  	[spmem:s12] =	stream.linear.scatter [tilespmem:s18], [sflag:$0x2], $0x3200, $0x38;
	[tilespmem:$0x1BD50] =	vst v63  }
0x31: {  	_ =	swait.ge [sflag:s19], $0x3200  }
0x32: {  	[sflag:s19] =	ssyncset.done $0x0  }
0x33: {  	[sflag:s19] =	ssyncadd.s32 $0xFFFFCE00  }
0x34: {  	[spmem:s13] =	stream.linear.scatter [tilespmem:s18], [sflag:$0x2], $0x3200, $0x38;
	[tilespmem:$0x1BD50] =	vst v63  }
0x35: {  	_ =	swait.ge [sflag:s19], $0x3200  }
0x36: {  	[sflag:s19] =	ssyncset.done $0x0  }
0x37: {  	[sflag:s19] =	ssyncadd.s32 $0xFFFFCE00  }
0x38: {  	[spmem:s14] =	stream.linear.scatter [tilespmem:s18], [sflag:$0x2], $0x28A0, $0x38;
	[tilespmem:$0x1BD50] =	vst v63  }
0x39: {  	_ =	swait.ge [sflag:s19], $0x28A0  }
0x3a: {  	[sflag:s19] =	ssyncset.done $0x0  }
0x3b: {  	[sflag:s19] =	ssyncadd.s32 $0xFFFFD760  }
0x3c: {  	s24 =	simm.s32 $0x0;
	s25 =	simm.s32 $0x0;
	[bflag:$0x0] =	sbarrier.arrive $0xFFFF  }
.LBB2_4:
0x3d: {  	s26 =	smul.u32 $0x190, s25;
	_ =	sdelay $0x1  }
0x3e: {  	s26 =	sadd.s32 s15, s26  }
0x3f: {  	s26 =	sshrl.u32 s26, $0x3  }
0x40: {  	s28 =	sadd.s32 s2, s26  }
0x41: {  	[tilespmem:s24], [sflag:$0x2] =	stream.linear.gather [hbm4b:s28+s24], $0x190, $0x38;
	[tilespmem:$0x1BD50] =	vst v63  }
0x42: {  	_ =	swait.ge [sflag:s19], $0x190  }
0x43: {  	[sflag:s19] =	ssyncset.done $0x0  }
0x44: {  	s28 =	sadd.s32 s1, s26;
	[sflag:s19] =	ssyncadd.s32 $0xFFFFFE70  }
0x45: {  	[tilespmem:s20], [sflag:$0x2] =	stream.linear.gather [hbm4b:s28+s24], $0x190, $0x38;
	[tilespmem:$0x1BD50] =	vst v63  }
0x46: {  	_ =	swait.ge [sflag:s19], $0x190  }
0x47: {  	[sflag:s19] =	ssyncset.done $0x0  }
0x48: {  	s26 =	sadd.s32 s3, s26;
	[sflag:s19] =	ssyncadd.s32 $0xFFFFFE70  }
0x49: {  	[tilespmem:s21], [sflag:$0x2] =	stream.linear.gather [hbm4b:s26+s24], $0x190, $0x38;
	[tilespmem:$0x1BD50] =	vst v63  }
0x4a: {  	_ =	swait.ge [sflag:s19], $0x190  }
0x4b: {  	[sflag:s19] =	ssyncset.done $0x0  }
0x4c: {  	s28 =	simm.s32 $0x40;
	s26 =	simm.s32 $0x0;
	[sflag:s19] =	ssyncadd.s32 $0xFFFFFE70  }
.LBB2_5:
0x4d: {  	p1 =	sne.s32 s28, $0x600;
	v2 =	vld [tilespmem:s26+$0x0];
	_ =	sdelay $0x2  }
.Ltmp1:
0x4e: {  	(pc) =	sbr.rel @p1 .LBB2_5-.Ltmp1, $4  }
0x4f: {  	_ = 	snop  }
0x50: {  	v2 =	vshll.u32 v2, $0x1  }
0x51: {  	v2 =	vor.u32 v0, v2  }
0x52: {  	[tilespmem:s26+$0x0] =	vst v2;
	s26 =	sshra.s32 s28, $0x2;
	s28 =	sadd.s32 $0x40, s28  }
0x53: {  	v2 =	vld [tilespmem:s26+$0x0];
	_ =	sdelay $0x4  }
0x54: {  	v2 =	vshll.u32 v2, $0x1  }
0x55: {  	v2 =	vor.u32 v0, v2  }
0x56: {  	s31 =	simm.s32 $0x0;
	[tilespmem:s26+$0x0] =	vst v2  }
0x57: {  	[tilespmem:s18], [sflag:$0x1] =	stream.indirect.gather [hbm4b:s6+s20], $0x20, s31, s20, $0xb8;
	[tilespmem:$0x1BD50] =	vst v63  }
0x58: {  	_ =	swait.ge [sflag:s22], $0x3200  }
0x59: {  	[sflag:s22] =	ssyncset.done $0x0  }
0x5a: {  	s26 =	simm.s32 $0x5B0;
	[sflag:s22] =	ssyncadd.s32 $0xFFFFCE00  }
0x5b: {  	v7 =	vld [tilespmem:s26+$0xFFFFFFA0]  }
0x5c: {  	v5 =	vld [tilespmem:s26+$0xFFFFFFF0]  }
0x5d: {  	v2 =	vld [tilespmem:s26+$0xFFFFFF60]  }
0x5e: {  	v8 =	vld [tilespmem:s26+$0xFFFFFFD0]  }
0x5f: {  	v9 =	vld [tilespmem:s26+$0x80]  }
0x60: {  	v12 =	vld [tilespmem:s26+$0xFFFFFF10]  }
0x61: {  	v16 =	vld [tilespmem:s26+$0xE0]  }
0x62: {  	v11 =	vld [tilespmem:s26+$0xFFFFFF40]  }
0x63: {  	s28 =	simm.s32 $0x0;
	v3 =	vld [tilespmem:s26+$0xFFFFFF90]  }
0x64: {  	v4 =	vld [tilespmem:s28+$0x320]  }
0x65: {  	v10 =	vld [tilespmem:s26+$0xFFFFFFC0]  }
0x66: {  	v13 =	vld [tilespmem:s26+$0xFFFFFF00]  }
0x67: {  	v14 =	vld [tilespmem:s26+$0xD0]  }
0x68: {  	v23 =	vld [tilespmem:s26+$0xC0]  }
0x69: {  	v21 =	vld [tilespmem:s26+$0x90];
	v19 =	vbroadcast v4, $0x0;
	v6 =	vbroadcast v4, $0xF  }
0x6a: {  	v22 =	vld [tilespmem:s26+$0xFFFFFF50];
	v20 =	vbroadcast v4, $0x2;
	v18 =	vbroadcast v4, $0xE  }
0x6b: {  	v17 =	vld [tilespmem:s26+$0xB0];
	v15 =	vbroadcast v4, $0xC;
	v25 =	vmul.f32 v19, v13  }
0x6c: {  	s29 =	simm.s32 $0x5B0;
	s28 =	simm.s32 $0x40;
	v13 =	vbroadcast v4, $0xD;
	v24 =	vmul.f32 v11, v20;
	v11 =	vld [tilespmem:s26+$0x60]  }
.LBB2_7:
0x6d: {  	p1 =	sne.s32 s28, $0x600  }
0x6e: {  	[tilespmem:s26+$0xFFFFFF00] =	vst v25;
	v25 =	vld [tilespmem:s26+$0xFFFFFFB0];
	v23 =	vmul.f32 v23, v18;
	v16 =	vmul.f32 v16, v6;
	s29 =	sadd.s32 $0x200, s29;
	s30 =	smov.u32 s28;
	s28 =	sadd.s32 $0x40, s28  }
0x6f: {  	[tilespmem:s26+$0xFFFFFF40] =	vst v24;
	v24 =	vbroadcast v4, $0xA;
	v21 =	vmul.f32 v21, v15;
	v26 =	vld [tilespmem:s26+$0xA0]  }
0x70: {  	v12 =	vmul.f32 v12, v19;
	v19 =	vmul.f32 v22, v20;
	v20 =	vld [tilespmem:s26+$0x70];
	[tilespmem:s26+$0xE0] =	vst v16  }
0x71: {  	v16 =	vbroadcast v4, $0x5;
	v22 =	vld [tilespmem:s26+$0xFFFFFFE0];
	v17 =	vmul.f32 v17, v13;
	[tilespmem:s26+$0xC0] =	vst v23  }
0x72: {  	v14 =	vmul.f32 v14, v18;
	[tilespmem:s26+$0xFFFFFF10] =	vst v12;
	v12 =	vbroadcast v4, $0x6;
	v23 =	vld [tilespmem:s26+$0x40]  }
0x73: {  	v27 =	vbroadcast v4, $0xB;
	v7 =	vmul.f32 v7, v16;
	v18 =	vld [tilespmem:s26+$0xFFFFFF20];
	[tilespmem:s26+$0x90] =	vst v21  }
0x74: {  	v21 =	vbroadcast v4, $0x9;
	[tilespmem:s26+$0xFFFFFF50] =	vst v19;
	v19 =	vld [tilespmem:s26+$0x20];
	v13 =	vmul.f32 v26, v13  }
0x75: {  	v16 =	vmul.f32 v25, v16;
	v25 =	vld [tilespmem:s26+$0x50];
	v20 =	vmul.f32 v20, v27;
	[tilespmem:s26+$0xD0] =	vst v14  }
0x76: {  	v9 =	vmul.f32 v9, v15;
	v14 =	vbroadcast v4, $0x7;
	v26 =	vld [tilespmem:s26+$0x30];
	[tilespmem:s26+$0xA0] =	vst v13  }
0x77: {  	v10 =	vmul.f32 v10, v12;
	v13 =	vbroadcast v4, $0x3;
	v15 =	vld [tilespmem:s26+$0x0];
	[tilespmem:s26+$0x70] =	vst v20  }
0x78: {  	v11 =	vmul.f32 v11, v27;
	v8 =	vmul.f32 v8, v12;
	v12 =	vld [tilespmem:s26+$0x10];
	[tilespmem:s26+$0x80] =	vst v9  }
0x79: {  	v20 =	vbroadcast v4, $0x8;
	v23 =	vmul.f32 v23, v24;
	v9 =	vld [tilespmem:s26+$0xFFFFFF30];
	[tilespmem:s26+$0xB0] =	vst v17  }
0x7a: {  	v17 =	vbroadcast v4, $0x1;
	v27 =	vld [tilespmem:s26+$0xFFFFFF70];
	[tilespmem:s26+$0xFFFFFFD0] =	vst v8;
	v24 =	vmul.f32 v25, v24  }
0x7b: {  	v5 =	vmul.f32 v5, v14;
	v8 =	vmul.f32 v22, v14;
	[tilespmem:s26+$0xFFFFFFC0] =	vst v10;
	v10 =	vld [tilespmem:s26+$0xF0]  }
0x7c: {  	v22 =	vmul.f32 v26, v21;
	v14 =	vld [tilespmem:s26+$0xFFFFFF80];
	[tilespmem:s26+$0xFFFFFFA0] =	vst v7;
	v15 =	vmul.f32 v15, v20  }
0x7d: {  	v7 =	vld [tilespmem:s29+$0xFFFFFFA0];
	[tilespmem:s26+$0xFFFFFFF0] =	vst v5;
	v20 =	vmul.f32 v12, v20;
	v12 =	vmul.f32 v19, v21  }
0x7e: {  	v5 =	vmul.f32 v18, v17;
	v17 =	vmul.f32 v9, v17;
	[tilespmem:s26+$0x60] =	vst v11  }
0x7f: {  	v2 =	vmul.f32 v2, v13;
	v9 =	vmul.f32 v27, v13;
	[tilespmem:s26+$0xFFFFFFB0] =	vst v16  }
0x80: {  	v4 =	vbroadcast v4, $0x4;
	[tilespmem:s26+$0xFFFFFF20] =	vst v5;
	v5 =	vmul.f32 v10, v6  }
0x81: {  	[tilespmem:s26+$0xFFFFFF60] =	vst v2  }
0x82: {  	v6 =	vmul.f32 v14, v4;
	v2 =	vmul.f32 v3, v4;
	[tilespmem:s26+$0x40] =	vst v23  }
0x83: {  	[tilespmem:s26+$0xFFFFFFE0] =	vst v8  }
0x84: {  	[tilespmem:s26+$0xF0] =	vst v5  }
0x85: {  	[tilespmem:s26+$0xFFFFFF90] =	vst v2  }
0x86: {  	v5 =	vld [tilespmem:s29+$0xFFFFFFF0];
	[tilespmem:s26+$0xFFFFFF70] =	vst v9  }
0x87: {  	v2 =	vld [tilespmem:s29+$0xFFFFFF60];
	[tilespmem:s26+$0x20] =	vst v12  }
0x88: {  	v8 =	vld [tilespmem:s29+$0xFFFFFFD0];
	[tilespmem:s26+$0x30] =	vst v22  }
0x89: {  	v9 =	vld [tilespmem:s29+$0x80];
	[tilespmem:s26+$0xFFFFFF80] =	vst v6  }
0x8a: {  	v12 =	vld [tilespmem:s29+$0xFFFFFF10];
	[tilespmem:s26+$0x50] =	vst v24  }
0x8b: {  	v16 =	vld [tilespmem:s29+$0xE0];
	[tilespmem:s26+$0x0] =	vst v15  }
0x8c: {  	v11 =	vld [tilespmem:s29+$0xFFFFFF40];
	[tilespmem:s26+$0xFFFFFF30] =	vst v17  }
0x8d: {  	s30 =	sshra.s32 s30, $0x2;
	v3 =	vld [tilespmem:s29+$0xFFFFFF90];
	[tilespmem:s26+$0x10] =	vst v20;
	s26 =	smov.u32 s29  }
0x8e: {  	v4 =	vld [tilespmem:s30+$0x320]  }
0x8f: {  	v10 =	vld [tilespmem:s29+$0xFFFFFFC0]  }
0x90: {  	v13 =	vld [tilespmem:s29+$0xFFFFFF00]  }
0x91: {  	v14 =	vld [tilespmem:s29+$0xD0]  }
.Ltmp2:
0x92: {  	v23 =	vld [tilespmem:s29+$0xC0];
	(pc) =	sbr.rel @p1 .LBB2_7-.Ltmp2, $4  }
0x93: {  	v19 =	vbroadcast v4, $0x0;
	v21 =	vld [tilespmem:s29+$0x90];
	v6 =	vbroadcast v4, $0xF  }
0x94: {  	v20 =	vbroadcast v4, $0x2;
	v18 =	vbroadcast v4, $0xE;
	v22 =	vld [tilespmem:s29+$0xFFFFFF50]  }
0x95: {  	v25 =	vmul.f32 v19, v13;
	v13 =	vbroadcast v4, $0xD;
	v17 =	vld [tilespmem:s29+$0xB0]  }
0x96: {  	v15 =	vbroadcast v4, $0xC;
	v24 =	vmul.f32 v11, v20;
	v11 =	vld [tilespmem:s29+$0x60]  }
0x97: {  	[tilespmem:s26+$0xFFFFFF00] =	vst v25;
	v16 =	vmul.f32 v16, v6  }
0x98: {  	v23 =	vmul.f32 v23, v18;
	[tilespmem:s26+$0xFFFFFF40] =	vst v24  }
0x99: {  	v12 =	vmul.f32 v12, v19;
	[tilespmem:s26+$0xE0] =	vst v16  }
0x9a: {  	v34 =	vmul.f32 v14, v18;
	[tilespmem:s26+$0xC0] =	vst v23  }
0x9b: {  	v32 =	vmul.f32 v21, v15;
	[tilespmem:s26+$0xFFFFFF10] =	vst v12  }
0x9c: {  	v40 =	vbroadcast v4, $0x6;
	v9 =	vmul.f32 v9, v15;
	[tilespmem:s26+$0xD0] =	vst v34  }
0x9d: {  	v20 =	vmul.f32 v22, v20;
	[tilespmem:s26+$0x90] =	vst v32  }
0x9e: {  	v44 =	vbroadcast v4, $0x5;
	v8 =	vmul.f32 v8, v40;
	[tilespmem:s26+$0x80] =	vst v9  }
0x9f: {  	v46 =	vbroadcast v4, $0x7;
	v10 =	vmul.f32 v10, v40;
	[tilespmem:s26+$0xFFFFFF50] =	vst v20  }
0xa0: {  	v53 =	vbroadcast v4, $0x3;
	v7 =	vmul.f32 v7, v44;
	[tilespmem:s26+$0xFFFFFFD0] =	vst v8  }
0xa1: {  	v30 =	vld [tilespmem:s26+$0xA0];
	v58 =	vbroadcast v4, $0x4;
	v5 =	vmul.f32 v5, v46;
	[tilespmem:s26+$0xFFFFFFC0] =	vst v10  }
0xa2: {  	v31 =	vld [tilespmem:s26+$0x70];
	v2 =	vmul.f32 v2, v53;
	[tilespmem:s26+$0xFFFFFFA0] =	vst v7  }
0xa3: {  	v33 =	vld [tilespmem:s26+$0xFFFFFFB0];
	v36 =	vbroadcast v4, $0xB;
	v3 =	vmul.f32 v3, v58;
	[tilespmem:s26+$0xFFFFFFF0] =	vst v5  }
0xa4: {  	v35 =	vld [tilespmem:s26+$0xFFFFFF20];
	v42 =	vmul.f32 v17, v13;
	[tilespmem:s26+$0xFFFFFF60] =	vst v2  }
0xa5: {  	v39 =	vld [tilespmem:s26+$0x40];
	v11 =	vmul.f32 v11, v36;
	[tilespmem:s26+$0xFFFFFF90] =	vst v3  }
0xa6: {  	v37 =	vld [tilespmem:s26+$0xFFFFFFE0];
	v38 =	vmul.f32 v30, v13;
	[tilespmem:s26+$0xB0] =	vst v42  }
0xa7: {  	v51 =	vbroadcast v4, $0x1;
	v54 =	vld [tilespmem:s26+$0xF0];
	v19 =	vmul.f32 v31, v36;
	[tilespmem:s26+$0x60] =	vst v11  }
0xa8: {  	v48 =	vld [tilespmem:s26+$0xFFFFFF70];
	v55 =	vbroadcast v4, $0xA;
	v52 =	vmul.f32 v33, v44;
	[tilespmem:s26+$0xA0] =	vst v38  }
0xa9: {  	v45 =	vld [tilespmem:s26+$0x30];
	v14 =	vmul.f32 v35, v51;
	[tilespmem:s26+$0x70] =	vst v19  }
0xaa: {  	v49 =	vld [tilespmem:s26+$0xFFFFFF80];
	v57 =	vmul.f32 v39, v55;
	[tilespmem:s26+$0xFFFFFFB0] =	vst v52  }
0xab: {  	v43 =	vld [tilespmem:s26+$0x20];
	v9 =	vmul.f32 v37, v46;
	[tilespmem:s26+$0xFFFFFF20] =	vst v14  }
0xac: {  	v56 =	vld [tilespmem:s26+$0xFFFFFF30];
	v59 =	vbroadcast v4, $0x9;
	v2 =	vmul.f32 v54, v6;
	[tilespmem:s26+$0x40] =	vst v57  }
0xad: {  	v41 =	vld [tilespmem:s26+$0x50];
	v60 =	vmul.f32 v48, v53;
	[tilespmem:s26+$0xFFFFFFE0] =	vst v9  }
0xae: {  	v47 =	vld [tilespmem:s26+$0x0];
	v3 =	vmul.f32 v45, v59;
	[tilespmem:s26+$0xF0] =	vst v2  }
0xaf: {  	v50 =	vld [tilespmem:s26+$0x10];
	v62 =	vmul.f32 v49, v58;
	[tilespmem:s26+$0xFFFFFF70] =	vst v60  }
0xb0: {  	v2 =	vmul.f32 v43, v59;
	[tilespmem:s26+$0x30] =	vst v3  }
0xb1: {  	v61 =	vbroadcast v4, $0x8;
	v63 =	vmul.f32 v56, v51;
	[tilespmem:s26+$0xFFFFFF80] =	vst v62  }
0xb2: {  	[tilespmem:s26+$0x20] =	vst v2;
	v2 =	vmul.f32 v41, v55  }
0xb3: {  	v3 =	vmul.f32 v47, v61;
	[tilespmem:s26+$0xFFFFFF30] =	vst v63  }
0xb4: {  	s25 =	sadd.s32 $0x1, s25;
	[tilespmem:s26+$0x50] =	vst v2;
	v2 =	vmul.f32 v50, v61  }
0xb5: {  	p1 =	sne.s32 s25, $0x7D;
	[tilespmem:s26+$0x0] =	vst v3  }
.Ltmp3:
0xb6: {  	[tilespmem:s26+$0x10] =	vst v2;
	(pc) =	sbr.rel @p1 .LBB2_4-.Ltmp3, $4  }
0xb7: {  	[spmem:s4] =	stream.indirect.scatter.add.f32 [tilespmem:s18], [sflag:$0x2], $0x20, s20, s20, $0xb8;
	[tilespmem:$0x1BD50] =	vst v63  }
0xb8: {  	_ =	swait.ge [sflag:s19], $0x3200  }
0xb9: {  	[sflag:s19] =	ssyncset.done $0x0  }
0xba: {  	[sflag:s19] =	ssyncadd.s32 $0xFFFFCE00  }
0xbb: {  	[bflag:$0x0] =	sbarrier.arrive $0xFFFF  }
0xbc: {  	s24 =	sshrl.u32 @!p0 s4, $0x3;
	s25 =	simm.s32 @!p0 $0x1C02;
	s23 =	sadd.s32 $0x1, s23  }
0xbd: {  	[hbm:s16], [sflag:s25] =	dma.local @!p0 [spmem:s24], $0x30D40  }
0xbe: {  	p1 =	sne.s32 s23, s17  }
.Ltmp4:
0xbf: {  	_ = 	snop;
	(pc) =	sbr.rel @p1 .LBB2_1-.Ltmp4, $4  }
0xc0: {  	s24 =	simm.s32 @!p0 $0x2  }
0xc1: {  	_ =	swait.ge @!p0 [sflag:s24], $0x30D40  }
0xc2: {  	[sflag:s24] =	ssyncset.done @!p0 $0x0  }
0xc3: {  	[sflag:s24] =	ssyncadd.s32 @!p0 $0xFFFCF2C0  }
0xc4: {  	_ =	sfence.sel $0x180000  }
0xc5: {  	[bflag:$0x0] =	sbarrier.arrive $0xFFFF  }
0xc6: {  	_ =	strace $0x90000047  }
0xc7: {  	s0 =	sadd.s32 @!p0 $0x100000, s0;
	[bflag:$0x2] =	sbarrier.arrive $0xFFFF  }
0xc8: {  	[sflag:s0] =	ssyncadd.tile.s32 @!p0 $0x1;
	_ =	shalt  }
.Lfunc_end2:
_tile_overlayer_lowered:
.L_overlay_start_2:
0xc9: {  	(tag) =	ssettag $0x2  }
0xca: {  	s0 =	rddreg [dreg:$0x0];
	s2 =	stileid.u32  }
0xcb: {  	s1 =	rddreg [dreg:$0x1];
	p0 =	sne.s32 s2, $0x0  }
0xcc: {  	s3 =	rddreg [dreg:$0x2];
	[bflag:$0x3] =	sbarrier.arrive $0xFFFF;
	s2 =	simm.s32 @!p0 $0x1C02  }
0xcd: {  	[timem:s3], [sflag:s2] =	dma.local @!p0 [hbm:s0], s1  }
0xce: {  	s0 =	simm.s32 @!p0 $0x2  }
0xcf: {  	_ =	swait.ge @!p0 [sflag:s0], s1  }
0xd0: {  	s1 =	ssub.s32 @!p0 $0x0, s1;
	[sflag:s0] =	ssyncset.done @!p0 $0x0  }
0xd1: {  	[sflag:s0] =	ssyncadd.s32 @!p0 s1  }
0xd2: {  	[bflag:$0x3] =	sbarrier.arrive $0xFFFF  }
0xd3: {  	_ =	shalt  }

</sc_bundles>
